<compile_context>
chip_gen: v7x
topology: tpu7x:2x2x1
jax: 0.10.2.dev20260603
libtpu: 0.0.44.dev20260713+nightly
codegen_flags: <defaults>
</compile_context>

<pallas_src>
import functools

import jax
import jax.numpy as jnp
from jax import lax
from jax.experimental import pallas as pl
from jax.experimental.pallas import tpu as pltpu
from jax.experimental.pallas import tpu_sc as plsc

NFFT = 65536
NP = 8192
NSRCH = NP + 1
TBASE = 8
TPAD = 8208
NC = 2
NS = 16
NW = NC * NS
CHUNK = NFFT // NW
PCHUNK = NP // NS
L = 16


def _c16(v, dtype):
    return jnp.full((L,), v, dtype)


def _sc_body(y_hbm, xp_hbm, pp_hbm, ew_hbm, abg_hbm, out_hbm,
             xp_c, pp_c, ew_c, yg_c, plc_v, hc_v, pph_v, abg_v,
             ptab_v, htab_v, out_v, plarr_s, harr_s, sem, sem2):
    cid = lax.axis_index("c")
    sid = lax.axis_index("s")
    wid = sid * NC + cid
    pbase = sid * PCHUNK

    cp_pp = pltpu.async_copy(pp_hbm.at[pl.ds(pbase, PCHUNK)], pp_c, sem2)
    cps = [pltpu.async_copy(xp_hbm.at[pl.ds(pbase, PCHUNK)], xp_c, sem),
           pltpu.async_copy(ew_hbm.at[pl.ds(pbase, PCHUNK)], ew_c, sem),
           pltpu.async_copy(pp_hbm.at[pl.ds(0, L)], pph_v, sem),
           pltpu.async_copy(abg_hbm, abg_v, sem)]
    cp_pp.wait()

    gcps = [pltpu.async_copy(y_hbm.at[pp_c.at[pl.ds(k * 128, 128)]],
                             yg_c.at[pl.ds(k * 128, 128)], sem2)
            for k in range(PCHUNK // 128)]
    for cp in cps:
        cp.wait()

    iota = lax.iota(jnp.int32, L)

    def bc(ref, i):
        return plsc.load_gather(ref, [_c16(i, jnp.int32)])

    p0 = bc(pph_v, 0)
    s_shift = jnp.where(p0 == _c16(0, jnp.int32),
                        _c16(0, jnp.int32), _c16(1, jnp.int32))

    for cp in gcps:
        cp.wait()

    PU = 8

    def pilot_body(k, carry):
        gi_l = [(k * PU + u) * L + iota for u in range(PU)]
        pp_l = [plsc.load_gather(pp_c, [gi]) for gi in gi_l]
        xp_l = [plsc.load_gather(xp_c, [gi]) for gi in gi_l]
        ew_l = [plsc.load_gather(ew_c, [gi]) for gi in gi_l]
        yg_l = [plsc.load_gather(yg_c, [gi]) for gi in gi_l]
        for u in range(PU):
            h = yg_l[u] / xp_l[u] * ew_l[u]
            plsc.store_scatter(hc_v, [gi_l[u]], h)
            plsc.store_scatter(plc_v, [gi_l[u]],
                               (pp_l[u] + s_shift).astype(jnp.float32))
        return carry

    lax.fori_loop(0, PCHUNK // L // PU, pilot_body, 0)

    pub = [pltpu.async_copy(plc_v, plarr_s.at[pl.ds(pbase, PCHUNK)], sem2),
           pltpu.async_copy(hc_v, harr_s.at[pl.ds(pbase, PCHUNK)], sem2)]
    for cp in pub:
        cp.wait()
    plsc.subcore_barrier()
    pulls = [pltpu.async_copy(plarr_s, ptab_v.at[pl.ds(TBASE, NP)], sem2),
             pltpu.async_copy(harr_s, htab_v.at[pl.ds(TBASE, NP)], sem2)]
    for cp in pulls:
        cp.wait()

    pl0 = bc(ptab_v, TBASE)
    pl1v = bc(ptab_v, TBASE + 1)
    plm1 = bc(ptab_v, TBASE + NP - 1)
    plm2 = bc(ptab_v, TBASE + NP - 2)
    H0 = bc(htab_v, TBASE)
    H1 = bc(htab_v, TBASE + 1)
    Hm1 = bc(htab_v, TBASE + NP - 1)
    Hm2 = bc(htab_v, TBASE + NP - 2)
    slope0 = (H1 - H0) / (pl1v - pl0)
    first_H = jnp.where(pl0 > _c16(0.0, jnp.float32), H0 - slope0 * pl0, H0)
    slope1 = (Hm1 - Hm2) / (plm1 - plm2)
    tail_H = Hm1 + slope1 * (_c16(float(NFFT - 1), jnp.float32) - plm1)
    cond_tail = plm1 < _c16(float(NFFT - 1), jnp.float32)
    o_vec = jnp.where(cond_tail, _c16(1, jnp.int32), _c16(0, jnp.int32))
    last_p = jnp.maximum(plm1, _c16(float(NFFT - 1), jnp.float32))

    m0 = iota == _c16(0, jnp.int32)
    m01 = iota < _c16(2, jnp.int32)
    head_i = iota + _c16(TBASE - 2, jnp.int32)
    plsc.store_scatter(
        ptab_v, [head_i],
        jnp.where(m0, _c16(-1.0, jnp.float32), _c16(0.0, jnp.float32)),
        mask=m01)
    plsc.store_scatter(
        htab_v, [head_i],
        jnp.where(m0, _c16(0.0, jnp.float32), first_H),
        mask=m01)
    tail_i = _c16(TBASE + NP, jnp.int32)
    plsc.store_scatter(ptab_v, [tail_i], last_p, mask=m0)
    plsc.store_scatter(htab_v, [tail_i], tail_H, mask=m0)

    av = abg_v[pl.ds(0, L)]
    bv = abg_v[pl.ds(L, L)]
    gv = abg_v[pl.ds(2 * L, L)]
    base_out = wid * CHUNK
    g0_hi = o_vec + _c16(NP, jnp.int32)

    def count_le(idxf):
        pos = _c16(0, jnp.int32)
        bit = 1 << 13
        while bit:
            cand = pos + bit
            gidx = jnp.minimum(cand, _c16(NSRCH, jnp.int32)) \
                + _c16(TBASE - 1, jnp.int32)
            tv = plsc.load_gather(ptab_v, [gidx])
            take = jnp.logical_and(cand <= _c16(NSRCH, jnp.int32),
                                   tv <= idxf)
            pos = jnp.where(take, cand, pos)
            bit >>= 1
        return pos

    wlo = count_le((_c16(base_out, jnp.int32) - _c16(1, jnp.int32))
                   .astype(jnp.float32))
    whi = count_le(_c16(float(CHUNK - 1), jnp.float32)
                   + _c16(base_out, jnp.int32).astype(jnp.float32))
    wvec = whi - wlo
    w_s = lax.reduce_max(wvec, (0,))
    nsteps = jnp.int32(0)
    for k in range(14):
        nsteps = nsteps + jnp.where(w_s >= (1 << k), 1, 0).astype(jnp.int32)
    gbase = wlo + _c16(TBASE - 1, jnp.int32)

    OU = 8

    def out_body(i, carry):
        li_l, idxf_l, pos_l = [], [], []
        for u in range(OU):
            li = (i * OU + u) * L + iota
            li_l.append(li)
            idxf_l.append((base_out + li).astype(jnp.float32))
            pos_l.append(_c16(0, jnp.int32))

        def step(t, poss):
            bit = jnp.broadcast_to(
                lax.shift_left(jnp.int32(1), nsteps - 1 - t).astype(jnp.int32), (L,))
            poss = list(poss)
            for u in range(OU):
                cand = poss[u] + bit
                gidx = jnp.minimum(cand, wvec) + gbase
                tv = plsc.load_gather(ptab_v, [gidx])
                take = jnp.logical_and(cand <= wvec, tv <= idxf_l[u])
                poss[u] = jnp.where(take, cand, poss[u])
            return tuple(poss)

        pos_l = list(lax.fori_loop(0, nsteps, step, tuple(pos_l)))
        g0_l = [jnp.minimum(jnp.maximum(wlo + pos_l[u] + 1, o_vec), g0_hi)
                + _c16(TBASE - 2, jnp.int32) for u in range(OU)]
        x0_l = [plsc.load_gather(ptab_v, [g0_l[u]]) for u in range(OU)]
        x1_l = [plsc.load_gather(ptab_v, [g0_l[u] + 1]) for u in range(OU)]
        yb_l = [plsc.load_gather(htab_v, [g0_l[u]]) for u in range(OU)]
        ya_l = [plsc.load_gather(htab_v, [g0_l[u] + 1]) for u in range(OU)]
        for u in range(OU):
            denom = x1_l[u] - x0_l[u]
            safe = denom > _c16(0.0, jnp.float32)
            df = jnp.where(
                safe,
                (idxf_l[u] - x0_l[u])
                / jnp.where(safe, denom, _c16(1.0, jnp.float32)),
                _c16(0.0, jnp.float32))
            outv = av * ya_l[u] + bv * yb_l[u] + gv * df
            plsc.store_scatter(out_v, [li_l[u]], outv)
        return carry

    lax.fori_loop(0, CHUNK // L // OU, out_body, 0)

    pltpu.sync_copy(out_v, out_hbm.at[pl.ds(base_out, CHUNK)])


_estimator = functools.partial(
    pl.kernel,
    out_type=jax.ShapeDtypeStruct((NFFT,), jnp.float32),
    mesh=plsc.VectorSubcoreMesh(core_axis_name="c", subcore_axis_name="s",
                                num_cores=NC, num_subcores=NS),
    compiler_params=pltpu.CompilerParams(needs_layout_passes=False),
    scratch_types=[
        pltpu.VMEM((PCHUNK,), jnp.float32),
        pltpu.VMEM((PCHUNK,), jnp.int32),
        pltpu.VMEM((PCHUNK,), jnp.float32),
        pltpu.VMEM((PCHUNK,), jnp.float32),
        pltpu.VMEM((PCHUNK,), jnp.float32),
        pltpu.VMEM((PCHUNK,), jnp.float32),
        pltpu.VMEM((L,), jnp.int32),
        pltpu.VMEM((3 * L,), jnp.float32),
        pltpu.VMEM((TPAD,), jnp.float32),
        pltpu.VMEM((TPAD,), jnp.float32),
        pltpu.VMEM((CHUNK,), jnp.float32),
        pltpu.VMEM_SHARED((NP,), jnp.float32),
        pltpu.VMEM_SHARED((NP,), jnp.float32),
        pltpu.SemaphoreType.DMA,
        pltpu.SemaphoreType.DMA,
    ],
)(_sc_body)


def kernel(Y, Xp, pilot_pos, Nfft, estimation_weights, alpha, beta, gamma):
    del Nfft
    a = jnp.broadcast_to(jnp.reshape(jnp.asarray(alpha, jnp.float32), (1,)), (L,))
    b = jnp.broadcast_to(jnp.reshape(jnp.asarray(beta, jnp.float32), (1,)), (L,))
    g = jnp.broadcast_to(jnp.reshape(jnp.asarray(gamma, jnp.float32), (1,)), (L,))
    abg = jnp.concatenate([a, b, g])
    return _estimator(Y.astype(jnp.float32), Xp.astype(jnp.float32),
                      pilot_pos.astype(jnp.int32),
                      estimation_weights.astype(jnp.float32), abg)

# --- scband reference (transcript-rebuilt; emitter-appended) ---
"""Pipeline reference for scband-channel-estimator-64905545777647 (READ-ONLY COPY).

The authoritative reference and input builder live on the scoring server;
editing this copy changes nothing except your own understanding.
"""

import jax, jax.numpy as jnp
import numpy as np

NFFT = 65536
NUM_PILOTS = 8192

def setup_inputs(seed: int = 0) -> dict:
    key = jax.random.key(seed)
    k1, k2, k3 = jax.random.split(key, 3)
    Y = jax.random.normal(k1, (NFFT,), dtype=jnp.float32)
    Xp = jax.random.uniform(k2, (NUM_PILOTS,), dtype=jnp.float32)
    pilot_pos = jnp.sort(jax.random.randint(k3, (NUM_PILOTS,), 0, NFFT, dtype=jnp.int32))
    estimation_weights = jnp.ones((NUM_PILOTS,), dtype=jnp.float32)
    alpha = jnp.asarray(0.5, dtype=jnp.float32)
    beta = jnp.asarray(0.5, dtype=jnp.float32)
    gamma = jnp.asarray(0.0, dtype=jnp.float32)
    return {"Y": Y, "Xp": Xp, "pilot_pos": pilot_pos, "Nfft": NFFT,
            "estimation_weights": estimation_weights, "alpha": alpha, "beta": beta, "gamma": gamma}

def reference(Y, Xp, pilot_pos, Nfft, estimation_weights, alpha, beta, gamma):
    n = pilot_pos.shape[0]
    Nfft_static = Y.shape[0]
    # LS estimation: gather pilot subcarriers and divide by known pilot symbols
    LS_est = Y[pilot_pos] / Xp
    weighted_LS = LS_est * estimation_weights[:n]
    # 1-based pilot locations, as in the torch module
    pl = pilot_pos.astype(jnp.float32) + 1.0
    pl = jnp.where(jnp.min(pl) == 1.0, pl - 1.0, pl)
    H = weighted_LS
    slope0 = (H[1] - H[0]) / (pl[1] - pl[0])
    first_H = jnp.where(pl[0] > 0.0, H[0] - slope0 * pl[0], H[0])
    H1 = jnp.concatenate([jnp.reshape(first_H, (1,)), H])
    pl1 = jnp.concatenate([jnp.zeros((1,), dtype=jnp.float32), pl])
    slope1 = (H1[-1] - H1[-2]) / (pl1[-1] - pl1[-2])
    tail_H = H1[-1:] + slope1 * (Nfft - 1 - pl1[-1:])
    cond_tail = pl1[-1] < Nfft - 1
    pl_app = jnp.concatenate([pl1, jnp.full((1,), Nfft_static - 1, dtype=jnp.float32)])
    H_app = jnp.concatenate([H1, tail_H])
    pl_pad = jnp.concatenate([jnp.full((1,), -1.0, dtype=jnp.float32), pl1])
    H_pad = jnp.concatenate([jnp.zeros((1,), dtype=jnp.float32), H1])
    pl2 = jnp.where(cond_tail, pl_app, pl_pad)
    H2 = jnp.where(cond_tail, H_app, H_pad)
    # Vectorized trainable interpolation: bin every target subcarrier into a
    # pilot interval via searchsorted (same semantics as the per-i torch loop)
    idx = jnp.arange(Nfft_static, dtype=jnp.float32)
    left = jnp.clip(jnp.searchsorted(pl2, idx, side='right') - 1, 0, pl2.shape[0] - 2)
    X0 = pl2[left]
    X1 = pl2[left + 1]
    Y_beta = H2[left]
    Y_alpha = H2[left + 1]
    denom = X1 - X0
    df = jnp.where(denom > 0, (idx - X0) / jnp.where(denom > 0, denom, 1.0), 0.0)
    H_interpolated = alpha * Y_alpha + beta * Y_beta + gamma * df
    return H_interpolated

if __name__ == "__main__":
    import jax
    _d = setup_inputs()
    print(jax.jit(kernel)(*tuple(_d.values())))

</pallas_src>

<mosaic_0001>
#map = affine_map<(d0, d1) -> (0)>
module attributes {stable_mosaic.version = 14 : i64} {
  func.func @_sc_body(%arg0: i32, %arg1: i32, %arg2: memref<65536xf32, #tpu.memory_space<hbm>>, %arg3: memref<8192xf32, #tpu.memory_space<hbm>>, %arg4: memref<8192xi32, #tpu.memory_space<hbm>>, %arg5: memref<8192xf32, #tpu.memory_space<hbm>>, %arg6: memref<48xf32, #tpu.memory_space<hbm>>, %arg7: memref<65536xf32, #tpu.memory_space<hbm>>, %arg8: memref<512xf32, #tpu.memory_space<vmem>>, %arg9: memref<512xi32, #tpu.memory_space<vmem>>, %arg10: memref<512xf32, #tpu.memory_space<vmem>>, %arg11: memref<512xf32, #tpu.memory_space<vmem>>, %arg12: memref<512xf32, #tpu.memory_space<vmem>>, %arg13: memref<512xf32, #tpu.memory_space<vmem>>, %arg14: memref<16xi32, #tpu.memory_space<vmem>>, %arg15: memref<48xf32, #tpu.memory_space<vmem>>, %arg16: memref<8208xf32, #tpu.memory_space<vmem>>, %arg17: memref<8208xf32, #tpu.memory_space<vmem>>, %arg18: memref<2048xf32, #tpu.memory_space<vmem>>, %arg19: memref<8192xf32, #tpu.memory_space<vmem_shared>>, %arg20: memref<8192xf32, #tpu.memory_space<vmem_shared>>, %arg21: memref<!tpu.dma_semaphore, #tpu.memory_space<semaphore_mem>>, %arg22: memref<!tpu.dma_semaphore, #tpu.memory_space<semaphore_mem>>) attributes {dimension_semantics = [#tpu.dimension_semantics<core_parallel>, #tpu.dimension_semantics<subcore_parallel>], iteration_bounds = array<i64: 2, 16>, scalar_prefetch = 0 : i64, scratch_operands = 15 : i64, tpu.core_type = #tpu.core_type<sc_vector_subcore>, window_params = [{transform_indices = #map}, {transform_indices = #map}, {transform_indices = #map}, {transform_indices = #map}, {transform_indices = #map}, {transform_indices = #map}]} {
    %mul3A = arith.constant 2 : i32
    %mul3A_0 = arith.muli %arg1, %mul3A : i32
    %add3A = arith.addi %mul3A_0, %arg0 : i32
    %mul3A_1 = arith.constant 512 : i32
    %mul3A_2 = arith.muli %arg1, %mul3A_1 : i32
    %dma_start3A = tpu.memref_slice %arg4[%mul3A_2] : memref<8192xi32, #tpu.memory_space<hbm>> -> memref<512xi32, #tpu.memory_space<hbm>>
    %dma_start3A_3 = tpu.memref_slice %arg4[%mul3A_2] : memref<8192xi32, #tpu.memory_space<hbm>> -> memref<512xi32, #tpu.memory_space<hbm>>
    tpu.enqueue_dma source(%dma_start3A_3 : memref<512xi32, #tpu.memory_space<hbm>>) target(%arg9 : memref<512xi32, #tpu.memory_space<vmem>>) target_semaphore(%arg22 : memref<!tpu.dma_semaphore, #tpu.memory_space<semaphore_mem>>)
    %dma_start3A_4 = tpu.memref_slice %arg3[%mul3A_2] : memref<8192xf32, #tpu.memory_space<hbm>> -> memref<512xf32, #tpu.memory_space<hbm>>
    %dma_start3A_5 = tpu.memref_slice %arg3[%mul3A_2] : memref<8192xf32, #tpu.memory_space<hbm>> -> memref<512xf32, #tpu.memory_space<hbm>>
    tpu.enqueue_dma source(%dma_start3A_5 : memref<512xf32, #tpu.memory_space<hbm>>) target(%arg8 : memref<512xf32, #tpu.memory_space<vmem>>) target_semaphore(%arg21 : memref<!tpu.dma_semaphore, #tpu.memory_space<semaphore_mem>>)
    %dma_start3A_6 = tpu.memref_slice %arg5[%mul3A_2] : memref<8192xf32, #tpu.memory_space<hbm>> -> memref<512xf32, #tpu.memory_space<hbm>>
    %dma_start3A_7 = tpu.memref_slice %arg5[%mul3A_2] : memref<8192xf32, #tpu.memory_space<hbm>> -> memref<512xf32, #tpu.memory_space<hbm>>
    tpu.enqueue_dma source(%dma_start3A_7 : memref<512xf32, #tpu.memory_space<hbm>>) target(%arg10 : memref<512xf32, #tpu.memory_space<vmem>>) target_semaphore(%arg21 : memref<!tpu.dma_semaphore, #tpu.memory_space<semaphore_mem>>)
    %dma_start3A_8 = arith.constant 0 : i32
    %dma_start3A_9 = tpu.memref_slice %arg4[%dma_start3A_8] : memref<8192xi32, #tpu.memory_space<hbm>> -> memref<16xi32, #tpu.memory_space<hbm>>
    %dma_start3A_10 = arith.constant 0 : i32
    %dma_start3A_11 = tpu.memref_slice %arg4[%dma_start3A_10] : memref<8192xi32, #tpu.memory_space<hbm>> -> memref<16xi32, #tpu.memory_space<hbm>>
    tpu.enqueue_dma source(%dma_start3A_11 : memref<16xi32, #tpu.memory_space<hbm>>) target(%arg14 : memref<16xi32, #tpu.memory_space<vmem>>) target_semaphore(%arg21 : memref<!tpu.dma_semaphore, #tpu.memory_space<semaphore_mem>>)
    tpu.enqueue_dma source(%arg6 : memref<48xf32, #tpu.memory_space<hbm>>) target(%arg15 : memref<48xf32, #tpu.memory_space<vmem>>) target_semaphore(%arg21 : memref<!tpu.dma_semaphore, #tpu.memory_space<semaphore_mem>>)
    %dma_wait3A = tpu.memref_slice %arg4[%mul3A_2] : memref<8192xi32, #tpu.memory_space<hbm>> -> memref<512xi32, #tpu.memory_space<hbm>>
    %dma_wait3A_12 = tpu.memref_slice %arg4[%mul3A_2] : memref<8192xi32, #tpu.memory_space<hbm>> -> memref<512xi32, #tpu.memory_space<hbm>>
    tpu.wait_dma2 semaphore(%arg22 : memref<!tpu.dma_semaphore, #tpu.memory_space<semaphore_mem>>) src(%dma_wait3A_12 : memref<512xi32, #tpu.memory_space<hbm>>) dst(%arg9 : memref<512xi32, #tpu.memory_space<vmem>>)
    %dma_start3A_13 = arith.constant 0 : i32
    %dma_start3A_14 = tpu.memref_slice %arg11[%dma_start3A_13] : memref<512xf32, #tpu.memory_space<vmem>> -> memref<128xf32, #tpu.memory_space<vmem>>
    %dma_start3A_15 = arith.constant 0 : i32
    %dma_start3A_16 = tpu.memref_slice %arg9[%dma_start3A_15] : memref<512xi32, #tpu.memory_space<vmem>> -> memref<128xi32, #tpu.memory_space<vmem>>
    %dma_start3A_17 = arith.constant 0 : i32
    %dma_start3A_18 = tpu.memref_slice %arg2[%dma_start3A_17] : memref<65536xf32, #tpu.memory_space<hbm>> -> memref<65536xf32, #tpu.memory_space<hbm>>
    tpu.enqueue_indirect_dma source(%dma_start3A_18 : memref<65536xf32, #tpu.memory_space<hbm>>) target(%dma_start3A_14 : memref<128xf32, #tpu.memory_space<vmem>>) offsets(%dma_start3A_16 : memref<128xi32, #tpu.memory_space<vmem>>) semaphore(%arg22 : memref<!tpu.dma_semaphore, #tpu.memory_space<semaphore_mem>>)
    %dma_start3A_19 = arith.constant 128 : i32
    %dma_start3A_20 = tpu.memref_slice %arg11[%dma_start3A_19] : memref<512xf32, #tpu.memory_space<vmem>> -> memref<128xf32, #tpu.memory_space<vmem>>
    %dma_start3A_21 = arith.constant 128 : i32
    %dma_start3A_22 = tpu.memref_slice %arg9[%dma_start3A_21] : memref<512xi32, #tpu.memory_space<vmem>> -> memref<128xi32, #tpu.memory_space<vmem>>
    %dma_start3A_23 = arith.constant 0 : i32
    %dma_start3A_24 = tpu.memref_slice %arg2[%dma_start3A_23] : memref<65536xf32, #tpu.memory_space<hbm>> -> memref<65536xf32, #tpu.memory_space<hbm>>
    tpu.enqueue_indirect_dma source(%dma_start3A_24 : memref<65536xf32, #tpu.memory_space<hbm>>) target(%dma_start3A_20 : memref<128xf32, #tpu.memory_space<vmem>>) offsets(%dma_start3A_22 : memref<128xi32, #tpu.memory_space<vmem>>) semaphore(%arg22 : memref<!tpu.dma_semaphore, #tpu.memory_space<semaphore_mem>>)
    %dma_start3A_25 = arith.constant 256 : i32
    %dma_start3A_26 = tpu.memref_slice %arg11[%dma_start3A_25] : memref<512xf32, #tpu.memory_space<vmem>> -> memref<128xf32, #tpu.memory_space<vmem>>
    %dma_start3A_27 = arith.constant 256 : i32
    %dma_start3A_28 = tpu.memref_slice %arg9[%dma_start3A_27] : memref<512xi32, #tpu.memory_space<vmem>> -> memref<128xi32, #tpu.memory_space<vmem>>
    %dma_start3A_29 = arith.constant 0 : i32
    %dma_start3A_30 = tpu.memref_slice %arg2[%dma_start3A_29] : memref<65536xf32, #tpu.memory_space<hbm>> -> memref<65536xf32, #tpu.memory_space<hbm>>
    tpu.enqueue_indirect_dma source(%dma_start3A_30 : memref<65536xf32, #tpu.memory_space<hbm>>) target(%dma_start3A_26 : memref<128xf32, #tpu.memory_space<vmem>>) offsets(%dma_start3A_28 : memref<128xi32, #tpu.memory_space<vmem>>) semaphore(%arg22 : memref<!tpu.dma_semaphore, #tpu.memory_space<semaphore_mem>>)
    %dma_start3A_31 = arith.constant 384 : i32
    %dma_start3A_32 = tpu.memref_slice %arg11[%dma_start3A_31] : memref<512xf32, #tpu.memory_space<vmem>> -> memref<128xf32, #tpu.memory_space<vmem>>
    %dma_start3A_33 = arith.constant 384 : i32
    %dma_start3A_34 = tpu.memref_slice %arg9[%dma_start3A_33] : memref<512xi32, #tpu.memory_space<vmem>> -> memref<128xi32, #tpu.memory_space<vmem>>
    %dma_start3A_35 = arith.constant 0 : i32
    %dma_start3A_36 = tpu.memref_slice %arg2[%dma_start3A_35] : memref<65536xf32, #tpu.memory_space<hbm>> -> memref<65536xf32, #tpu.memory_space<hbm>>
    tpu.enqueue_indirect_dma source(%dma_start3A_36 : memref<65536xf32, #tpu.memory_space<hbm>>) target(%dma_start3A_32 : memref<128xf32, #tpu.memory_space<vmem>>) offsets(%dma_start3A_34 : memref<128xi32, #tpu.memory_space<vmem>>) semaphore(%arg22 : memref<!tpu.dma_semaphore, #tpu.memory_space<semaphore_mem>>)
    %dma_wait3A_37 = tpu.memref_slice %arg3[%mul3A_2] : memref<8192xf32, #tpu.memory_space<hbm>> -> memref<512xf32, #tpu.memory_space<hbm>>
    %dma_wait3A_38 = tpu.memref_slice %arg3[%mul3A_2] : memref<8192xf32, #tpu.memory_space<hbm>> -> memref<512xf32, #tpu.memory_space<hbm>>
    tpu.wait_dma2 semaphore(%arg21 : memref<!tpu.dma_semaphore, #tpu.memory_space<semaphore_mem>>) src(%dma_wait3A_38 : memref<512xf32, #tpu.memory_space<hbm>>) dst(%arg8 : memref<512xf32, #tpu.memory_space<vmem>>)
    %dma_wait3A_39 = tpu.memref_slice %arg5[%mul3A_2] : memref<8192xf32, #tpu.memory_space<hbm>> -> memref<512xf32, #tpu.memory_space<hbm>>
    %dma_wait3A_40 = tpu.memref_slice %arg5[%mul3A_2] : memref<8192xf32, #tpu.memory_space<hbm>> -> memref<512xf32, #tpu.memory_space<hbm>>
    tpu.wait_dma2 semaphore(%arg21 : memref<!tpu.dma_semaphore, #tpu.memory_space<semaphore_mem>>) src(%dma_wait3A_40 : memref<512xf32, #tpu.memory_space<hbm>>) dst(%arg10 : memref<512xf32, #tpu.memory_space<vmem>>)
    %dma_wait3A_41 = arith.constant 0 : i32
    %dma_wait3A_42 = tpu.memref_slice %arg4[%dma_wait3A_41] : memref<8192xi32, #tpu.memory_space<hbm>> -> memref<16xi32, #tpu.memory_space<hbm>>
    %dma_wait3A_43 = arith.constant 0 : i32
    %dma_wait3A_44 = tpu.memref_slice %arg4[%dma_wait3A_43] : memref<8192xi32, #tpu.memory_space<hbm>> -> memref<16xi32, #tpu.memory_space<hbm>>
    tpu.wait_dma2 semaphore(%arg21 : memref<!tpu.dma_semaphore, #tpu.memory_space<semaphore_mem>>) src(%dma_wait3A_44 : memref<16xi32, #tpu.memory_space<hbm>>) dst(%arg14 : memref<16xi32, #tpu.memory_space<vmem>>)
    tpu.wait_dma2 semaphore(%arg21 : memref<!tpu.dma_semaphore, #tpu.memory_space<semaphore_mem>>) src(%arg6 : memref<48xf32, #tpu.memory_space<hbm>>) dst(%arg15 : memref<48xf32, #tpu.memory_space<vmem>>)
    %iota3A = tpu.iota {dimensions = array<i32: 0>} : vector<16xi32>
    %broadcast_in_dim3A = arith.constant 0 : i32
    %broadcast_in_dim3A_45 = vector.broadcast %broadcast_in_dim3A : i32 to vector<16xi32>
    %gather3A = tpu.vector_load_idx %arg14[%broadcast_in_dim3A_45] : memref<16xi32, #tpu.memory_space<vmem>>[vector<16xi32>], vector<16xi32>,
    %broadcast_in_dim3A_46 = arith.constant 0 : i32
    %broadcast_in_dim3A_47 = vector.broadcast %broadcast_in_dim3A_46 : i32 to vector<16xi32>
    %eq3A = arith.cmpi eq, %gather3A, %broadcast_in_dim3A_47 : vector<16xi32>
    %broadcast_in_dim3A_48 = arith.constant 0 : i32
    %broadcast_in_dim3A_49 = vector.broadcast %broadcast_in_dim3A_48 : i32 to vector<16xi32>
    %broadcast_in_dim3A_50 = arith.constant 1 : i32
    %broadcast_in_dim3A_51 = vector.broadcast %broadcast_in_dim3A_50 : i32 to vector<16xi32>
    %select_n3A = arith.select %eq3A, %broadcast_in_dim3A_49, %broadcast_in_dim3A_51 : vector<16xi1>, vector<16xi32>
    %dma_wait3A_52 = arith.constant 0 : i32
    %dma_wait3A_53 = tpu.memref_slice %arg11[%dma_wait3A_52] : memref<512xf32, #tpu.memory_space<vmem>> -> memref<128xf32, #tpu.memory_space<vmem>>
    %dma_wait3A_54 = arith.constant 0 : i32
    %dma_wait3A_55 = tpu.memref_slice %arg9[%dma_wait3A_54] : memref<512xi32, #tpu.memory_space<vmem>> -> memref<128xi32, #tpu.memory_space<vmem>>
    %dma_wait3A_56 = arith.constant 0 : i32
    %dma_wait3A_57 = tpu.memref_slice %arg2[%dma_wait3A_56] : memref<65536xf32, #tpu.memory_space<hbm>> -> memref<65536xf32, #tpu.memory_space<hbm>>
    tpu.wait_indirect_dma semaphore(%arg22 : memref<!tpu.dma_semaphore, #tpu.memory_space<semaphore_mem>>) src(%dma_wait3A_57 : memref<65536xf32, #tpu.memory_space<hbm>>) dst(%dma_wait3A_53 : memref<128xf32, #tpu.memory_space<vmem>>)
    %dma_wait3A_58 = arith.constant 128 : i32
    %dma_wait3A_59 = tpu.memref_slice %arg11[%dma_wait3A_58] : memref<512xf32, #tpu.memory_space<vmem>> -> memref<128xf32, #tpu.memory_space<vmem>>
    %dma_wait3A_60 = arith.constant 128 : i32
    %dma_wait3A_61 = tpu.memref_slice %arg9[%dma_wait3A_60] : memref<512xi32, #tpu.memory_space<vmem>> -> memref<128xi32, #tpu.memory_space<vmem>>
    %dma_wait3A_62 = arith.constant 0 : i32
    %dma_wait3A_63 = tpu.memref_slice %arg2[%dma_wait3A_62] : memref<65536xf32, #tpu.memory_space<hbm>> -> memref<65536xf32, #tpu.memory_space<hbm>>
    tpu.wait_indirect_dma semaphore(%arg22 : memref<!tpu.dma_semaphore, #tpu.memory_space<semaphore_mem>>) src(%dma_wait3A_63 : memref<65536xf32, #tpu.memory_space<hbm>>) dst(%dma_wait3A_59 : memref<128xf32, #tpu.memory_space<vmem>>)
    %dma_wait3A_64 = arith.constant 256 : i32
    %dma_wait3A_65 = tpu.memref_slice %arg11[%dma_wait3A_64] : memref<512xf32, #tpu.memory_space<vmem>> -> memref<128xf32, #tpu.memory_space<vmem>>
    %dma_wait3A_66 = arith.constant 256 : i32
    %dma_wait3A_67 = tpu.memref_slice %arg9[%dma_wait3A_66] : memref<512xi32, #tpu.memory_space<vmem>> -> memref<128xi32, #tpu.memory_space<vmem>>
    %dma_wait3A_68 = arith.constant 0 : i32
    %dma_wait3A_69 = tpu.memref_slice %arg2[%dma_wait3A_68] : memref<65536xf32, #tpu.memory_space<hbm>> -> memref<65536xf32, #tpu.memory_space<hbm>>
    tpu.wait_indirect_dma semaphore(%arg22 : memref<!tpu.dma_semaphore, #tpu.memory_space<semaphore_mem>>) src(%dma_wait3A_69 : memref<65536xf32, #tpu.memory_space<hbm>>) dst(%dma_wait3A_65 : memref<128xf32, #tpu.memory_space<vmem>>)
    %dma_wait3A_70 = arith.constant 384 : i32
    %dma_wait3A_71 = tpu.memref_slice %arg11[%dma_wait3A_70] : memref<512xf32, #tpu.memory_space<vmem>> -> memref<128xf32, #tpu.memory_space<vmem>>
    %dma_wait3A_72 = arith.constant 384 : i32
    %dma_wait3A_73 = tpu.memref_slice %arg9[%dma_wait3A_72] : memref<512xi32, #tpu.memory_space<vmem>> -> memref<128xi32, #tpu.memory_space<vmem>>
    %dma_wait3A_74 = arith.constant 0 : i32
    %dma_wait3A_75 = tpu.memref_slice %arg2[%dma_wait3A_74] : memref<65536xf32, #tpu.memory_space<hbm>> -> memref<65536xf32, #tpu.memory_space<hbm>>
    tpu.wait_indirect_dma semaphore(%arg22 : memref<!tpu.dma_semaphore, #tpu.memory_space<semaphore_mem>>) src(%dma_wait3A_75 : memref<65536xf32, #tpu.memory_space<hbm>>) dst(%dma_wait3A_71 : memref<128xf32, #tpu.memory_space<vmem>>)
    %scan3A = arith.constant 0 : i32
    %scan3A_76 = arith.constant 0 : i32
    %scan3A_77 = arith.constant 4 : i32
    %scan3A_78 = arith.addi %scan3A_76, %scan3A_77 : i32
    %scan3A_79 = arith.constant 1 : i32
    scf.for %scan3A_739 = %scan3A_76 to %scan3A_78 step %scan3A_79  : i32 {
      %mul3A_740 = arith.constant 8 : i32
      %mul3A_741 = arith.muli %scan3A_739, %mul3A_740 : i32
      %add3A_742 = arith.constant 0 : i32
      %add3A_743 = arith.addi %mul3A_741, %add3A_742 : i32
      %mul3A_744 = arith.constant 16 : i32
      %mul3A_745 = arith.muli %add3A_743, %mul3A_744 : i32
      %add3A_746 = vector.broadcast %mul3A_745 : i32 to vector<16xi32>
      %add3A_747 = arith.addi %add3A_746, %iota3A : vector<16xi32>
      %mul3A_748 = arith.constant 8 : i32
      %mul3A_749 = arith.muli %scan3A_739, %mul3A_748 : i32
      %add3A_750 = arith.constant 1 : i32
      %add3A_751 = arith.addi %mul3A_749, %add3A_750 : i32
      %mul3A_752 = arith.constant 16 : i32
      %mul3A_753 = arith.muli %add3A_751, %mul3A_752 : i32
      %add3A_754 = vector.broadcast %mul3A_753 : i32 to vector<16xi32>
      %add3A_755 = arith.addi %add3A_754, %iota3A : vector<16xi32>
      %mul3A_756 = arith.constant 8 : i32
      %mul3A_757 = arith.muli %scan3A_739, %mul3A_756 : i32
      %add3A_758 = arith.constant 2 : i32
      %add3A_759 = arith.addi %mul3A_757, %add3A_758 : i32
      %mul3A_760 = arith.constant 16 : i32
      %mul3A_761 = arith.muli %add3A_759, %mul3A_760 : i32
      %add3A_762 = vector.broadcast %mul3A_761 : i32 to vector<16xi32>
      %add3A_763 = arith.addi %add3A_762, %iota3A : vector<16xi32>
      %mul3A_764 = arith.constant 8 : i32
      %mul3A_765 = arith.muli %scan3A_739, %mul3A_764 : i32
      %add3A_766 = arith.constant 3 : i32
      %add3A_767 = arith.addi %mul3A_765, %add3A_766 : i32
      %mul3A_768 = arith.constant 16 : i32
      %mul3A_769 = arith.muli %add3A_767, %mul3A_768 : i32
      %add3A_770 = vector.broadcast %mul3A_769 : i32 to vector<16xi32>
      %add3A_771 = arith.addi %add3A_770, %iota3A : vector<16xi32>
      %mul3A_772 = arith.constant 8 : i32
      %mul3A_773 = arith.muli %scan3A_739, %mul3A_772 : i32
      %add3A_774 = arith.constant 4 : i32
      %add3A_775 = arith.addi %mul3A_773, %add3A_774 : i32
      %mul3A_776 = arith.constant 16 : i32
      %mul3A_777 = arith.muli %add3A_775, %mul3A_776 : i32
      %add3A_778 = vector.broadcast %mul3A_777 : i32 to vector<16xi32>
      %add3A_779 = arith.addi %add3A_778, %iota3A : vector<16xi32>
      %mul3A_780 = arith.constant 8 : i32
      %mul3A_781 = arith.muli %scan3A_739, %mul3A_780 : i32
      %add3A_782 = arith.constant 5 : i32
      %add3A_783 = arith.addi %mul3A_781, %add3A_782 : i32
      %mul3A_784 = arith.constant 16 : i32
      %mul3A_785 = arith.muli %add3A_783, %mul3A_784 : i32
      %add3A_786 = vector.broadcast %mul3A_785 : i32 to vector<16xi32>
      %add3A_787 = arith.addi %add3A_786, %iota3A : vector<16xi32>
      %mul3A_788 = arith.constant 8 : i32
      %mul3A_789 = arith.muli %scan3A_739, %mul3A_788 : i32
      %add3A_790 = arith.constant 6 : i32
      %add3A_791 = arith.addi %mul3A_789, %add3A_790 : i32
      %mul3A_792 = arith.constant 16 : i32
      %mul3A_793 = arith.muli %add3A_791, %mul3A_792 : i32
      %add3A_794 = vector.broadcast %mul3A_793 : i32 to vector<16xi32>
      %add3A_795 = arith.addi %add3A_794, %iota3A : vector<16xi32>
      %mul3A_796 = arith.constant 8 : i32
      %mul3A_797 = arith.muli %scan3A_739, %mul3A_796 : i32
      %add3A_798 = arith.constant 7 : i32
      %add3A_799 = arith.addi %mul3A_797, %add3A_798 : i32
      %mul3A_800 = arith.constant 16 : i32
      %mul3A_801 = arith.muli %add3A_799, %mul3A_800 : i32
      %add3A_802 = vector.broadcast %mul3A_801 : i32 to vector<16xi32>
      %add3A_803 = arith.addi %add3A_802, %iota3A : vector<16xi32>
      %gather3A_804 = tpu.vector_load_idx %arg9[%add3A_747] : memref<512xi32, #tpu.memory_space<vmem>>[vector<16xi32>], vector<16xi32>,
      %gather3A_805 = tpu.vector_load_idx %arg9[%add3A_755] : memref<512xi32, #tpu.memory_space<vmem>>[vector<16xi32>], vector<16xi32>,
      %gather3A_806 = tpu.vector_load_idx %arg9[%add3A_763] : memref<512xi32, #tpu.memory_space<vmem>>[vector<16xi32>], vector<16xi32>,
      %gather3A_807 = tpu.vector_load_idx %arg9[%add3A_771] : memref<512xi32, #tpu.memory_space<vmem>>[vector<16xi32>], vector<16xi32>,
      %gather3A_808 = tpu.vector_load_idx %arg9[%add3A_779] : memref<512xi32, #tpu.memory_space<vmem>>[vector<16xi32>], vector<16xi32>,
      %gather3A_809 = tpu.vector_load_idx %arg9[%add3A_787] : memref<512xi32, #tpu.memory_space<vmem>>[vector<16xi32>], vector<16xi32>,
      %gather3A_810 = tpu.vector_load_idx %arg9[%add3A_795] : memref<512xi32, #tpu.memory_space<vmem>>[vector<16xi32>], vector<16xi32>,
      %gather3A_811 = tpu.vector_load_idx %arg9[%add3A_803] : memref<512xi32, #tpu.memory_space<vmem>>[vector<16xi32>], vector<16xi32>,
      %gather3A_812 = tpu.vector_load_idx %arg8[%add3A_747] : memref<512xf32, #tpu.memory_space<vmem>>[vector<16xi32>], vector<16xf32>,
      %gather3A_813 = tpu.vector_load_idx %arg8[%add3A_755] : memref<512xf32, #tpu.memory_space<vmem>>[vector<16xi32>], vector<16xf32>,
      %gather3A_814 = tpu.vector_load_idx %arg8[%add3A_763] : memref<512xf32, #tpu.memory_space<vmem>>[vector<16xi32>], vector<16xf32>,
      %gather3A_815 = tpu.vector_load_idx %arg8[%add3A_771] : memref<512xf32, #tpu.memory_space<vmem>>[vector<16xi32>], vector<16xf32>,
      %gather3A_816 = tpu.vector_load_idx %arg8[%add3A_779] : memref<512xf32, #tpu.memory_space<vmem>>[vector<16xi32>], vector<16xf32>,
      %gather3A_817 = tpu.vector_load_idx %arg8[%add3A_787] : memref<512xf32, #tpu.memory_space<vmem>>[vector<16xi32>], vector<16xf32>,
      %gather3A_818 = tpu.vector_load_idx %arg8[%add3A_795] : memref<512xf32, #tpu.memory_space<vmem>>[vector<16xi32>], vector<16xf32>,
      %gather3A_819 = tpu.vector_load_idx %arg8[%add3A_803] : memref<512xf32, #tpu.memory_space<vmem>>[vector<16xi32>], vector<16xf32>,
      %gather3A_820 = tpu.vector_load_idx %arg10[%add3A_747] : memref<512xf32, #tpu.memory_space<vmem>>[vector<16xi32>], vector<16xf32>,
      %gather3A_821 = tpu.vector_load_idx %arg10[%add3A_755] : memref<512xf32, #tpu.memory_space<vmem>>[vector<16xi32>], vector<16xf32>,
      %gather3A_822 = tpu.vector_load_idx %arg10[%add3A_763] : memref<512xf32, #tpu.memory_space<vmem>>[vector<16xi32>], vector<16xf32>,
      %gather3A_823 = tpu.vector_load_idx %arg10[%add3A_771] : memref<512xf32, #tpu.memory_space<vmem>>[vector<16xi32>], vector<16xf32>,
      %gather3A_824 = tpu.vector_load_idx %arg10[%add3A_779] : memref<512xf32, #tpu.memory_space<vmem>>[vector<16xi32>], vector<16xf32>,
      %gather3A_825 = tpu.vector_load_idx %arg10[%add3A_787] : memref<512xf32, #tpu.memory_space<vmem>>[vector<16xi32>], vector<16xf32>,
      %gather3A_826 = tpu.vector_load_idx %arg10[%add3A_795] : memref<512xf32, #tpu.memory_space<vmem>>[vector<16xi32>], vector<16xf32>,
      %gather3A_827 = tpu.vector_load_idx %arg10[%add3A_803] : memref<512xf32, #tpu.memory_space<vmem>>[vector<16xi32>], vector<16xf32>,
      %gather3A_828 = tpu.vector_load_idx %arg11[%add3A_747] : memref<512xf32, #tpu.memory_space<vmem>>[vector<16xi32>], vector<16xf32>,
      %gather3A_829 = tpu.vector_load_idx %arg11[%add3A_755] : memref<512xf32, #tpu.memory_space<vmem>>[vector<16xi32>], vector<16xf32>,
      %gather3A_830 = tpu.vector_load_idx %arg11[%add3A_763] : memref<512xf32, #tpu.memory_space<vmem>>[vector<16xi32>], vector<16xf32>,
      %gather3A_831 = tpu.vector_load_idx %arg11[%add3A_771] : memref<512xf32, #tpu.memory_space<vmem>>[vector<16xi32>], vector<16xf32>,
      %gather3A_832 = tpu.vector_load_idx %arg11[%add3A_779] : memref<512xf32, #tpu.memory_space<vmem>>[vector<16xi32>], vector<16xf32>,
      %gather3A_833 = tpu.vector_load_idx %arg11[%add3A_787] : memref<512xf32, #tpu.memory_space<vmem>>[vector<16xi32>], vector<16xf32>,
      %gather3A_834 = tpu.vector_load_idx %arg11[%add3A_795] : memref<512xf32, #tpu.memory_space<vmem>>[vector<16xi32>], vector<16xf32>,
      %gather3A_835 = tpu.vector_load_idx %arg11[%add3A_803] : memref<512xf32, #tpu.memory_space<vmem>>[vector<16xi32>], vector<16xf32>,
      %div3A_836 = arith.divf %gather3A_828, %gather3A_812 : vector<16xf32>
      %mul3A_837 = arith.mulf %div3A_836, %gather3A_820 : vector<16xf32>
      tpu.vector_store_idx %arg13[%add3A_747], %mul3A_837 : memref<512xf32, #tpu.memory_space<vmem>>[vector<16xi32>], vector<16xf32>,
      %add3A_838 = arith.addi %gather3A_804, %select_n3A : vector<16xi32>
      %convert_element_type3A_839 = arith.sitofp %add3A_838 : vector<16xi32> to vector<16xf32>
      tpu.vector_store_idx %arg12[%add3A_747], %convert_element_type3A_839 : memref<512xf32, #tpu.memory_space<vmem>>[vector<16xi32>], vector<16xf32>,
      %div3A_840 = arith.divf %gather3A_829, %gather3A_813 : vector<16xf32>
      %mul3A_841 = arith.mulf %div3A_840, %gather3A_821 : vector<16xf32>
      tpu.vector_store_idx %arg13[%add3A_755], %mul3A_841 : memref<512xf32, #tpu.memory_space<vmem>>[vector<16xi32>], vector<16xf32>,
      %add3A_842 = arith.addi %gather3A_805, %select_n3A : vector<16xi32>
      %convert_element_type3A_843 = arith.sitofp %add3A_842 : vector<16xi32> to vector<16xf32>
      tpu.vector_store_idx %arg12[%add3A_755], %convert_element_type3A_843 : memref<512xf32, #tpu.memory_space<vmem>>[vector<16xi32>], vector<16xf32>,
      %div3A_844 = arith.divf %gather3A_830, %gather3A_814 : vector<16xf32>
      %mul3A_845 = arith.mulf %div3A_844, %gather3A_822 : vector<16xf32>
      tpu.vector_store_idx %arg13[%add3A_763], %mul3A_845 : memref<512xf32, #tpu.memory_space<vmem>>[vector<16xi32>], vector<16xf32>,
      %add3A_846 = arith.addi %gather3A_806, %select_n3A : vector<16xi32>
      %convert_element_type3A_847 = arith.sitofp %add3A_846 : vector<16xi32> to vector<16xf32>
      tpu.vector_store_idx %arg12[%add3A_763], %convert_element_type3A_847 : memref<512xf32, #tpu.memory_space<vmem>>[vector<16xi32>], vector<16xf32>,
      %div3A_848 = arith.divf %gather3A_831, %gather3A_815 : vector<16xf32>
      %mul3A_849 = arith.mulf %div3A_848, %gather3A_823 : vector<16xf32>
      tpu.vector_store_idx %arg13[%add3A_771], %mul3A_849 : memref<512xf32, #tpu.memory_space<vmem>>[vector<16xi32>], vector<16xf32>,
      %add3A_850 = arith.addi %gather3A_807, %select_n3A : vector<16xi32>
      %convert_element_type3A_851 = arith.sitofp %add3A_850 : vector<16xi32> to vector<16xf32>
      tpu.vector_store_idx %arg12[%add3A_771], %convert_element_type3A_851 : memref<512xf32, #tpu.memory_space<vmem>>[vector<16xi32>], vector<16xf32>,
      %div3A_852 = arith.divf %gather3A_832, %gather3A_816 : vector<16xf32>
      %mul3A_853 = arith.mulf %div3A_852, %gather3A_824 : vector<16xf32>
      tpu.vector_store_idx %arg13[%add3A_779], %mul3A_853 : memref<512xf32, #tpu.memory_space<vmem>>[vector<16xi32>], vector<16xf32>,
      %add3A_854 = arith.addi %gather3A_808, %select_n3A : vector<16xi32>
      %convert_element_type3A_855 = arith.sitofp %add3A_854 : vector<16xi32> to vector<16xf32>
      tpu.vector_store_idx %arg12[%add3A_779], %convert_element_type3A_855 : memref<512xf32, #tpu.memory_space<vmem>>[vector<16xi32>], vector<16xf32>,
      %div3A_856 = arith.divf %gather3A_833, %gather3A_817 : vector<16xf32>
      %mul3A_857 = arith.mulf %div3A_856, %gather3A_825 : vector<16xf32>
      tpu.vector_store_idx %arg13[%add3A_787], %mul3A_857 : memref<512xf32, #tpu.memory_space<vmem>>[vector<16xi32>], vector<16xf32>,
      %add3A_858 = arith.addi %gather3A_809, %select_n3A : vector<16xi32>
      %convert_element_type3A_859 = arith.sitofp %add3A_858 : vector<16xi32> to vector<16xf32>
      tpu.vector_store_idx %arg12[%add3A_787], %convert_element_type3A_859 : memref<512xf32, #tpu.memory_space<vmem>>[vector<16xi32>], vector<16xf32>,
      %div3A_860 = arith.divf %gather3A_834, %gather3A_818 : vector<16xf32>
      %mul3A_861 = arith.mulf %div3A_860, %gather3A_826 : vector<16xf32>
      tpu.vector_store_idx %arg13[%add3A_795], %mul3A_861 : memref<512xf32, #tpu.memory_space<vmem>>[vector<16xi32>], vector<16xf32>,
      %add3A_862 = arith.addi %gather3A_810, %select_n3A : vector<16xi32>
      %convert_element_type3A_863 = arith.sitofp %add3A_862 : vector<16xi32> to vector<16xf32>
      tpu.vector_store_idx %arg12[%add3A_795], %convert_element_type3A_863 : memref<512xf32, #tpu.memory_space<vmem>>[vector<16xi32>], vector<16xf32>,
      %div3A_864 = arith.divf %gather3A_835, %gather3A_819 : vector<16xf32>
      %mul3A_865 = arith.mulf %div3A_864, %gather3A_827 : vector<16xf32>
      tpu.vector_store_idx %arg13[%add3A_803], %mul3A_865 : memref<512xf32, #tpu.memory_space<vmem>>[vector<16xi32>], vector<16xf32>,
      %add3A_866 = arith.addi %gather3A_811, %select_n3A : vector<16xi32>
      %convert_element_type3A_867 = arith.sitofp %add3A_866 : vector<16xi32> to vector<16xf32>
      tpu.vector_store_idx %arg12[%add3A_803], %convert_element_type3A_867 : memref<512xf32, #tpu.memory_space<vmem>>[vector<16xi32>], vector<16xf32>,
    }
    %scan3A_80 = arith.constant 4 : i32
    %dma_start3A_81 = tpu.memref_slice %arg19[%mul3A_2] : memref<8192xf32, #tpu.memory_space<vmem_shared>> -> memref<512xf32, #tpu.memory_space<vmem_shared>>
    %dma_start3A_82 = tpu.memref_slice %arg19[%mul3A_2] : memref<8192xf32, #tpu.memory_space<vmem_shared>> -> memref<512xf32, #tpu.memory_space<vmem_shared>>
    tpu.enqueue_dma source(%arg12 : memref<512xf32, #tpu.memory_space<vmem>>) target(%dma_start3A_82 : memref<512xf32, #tpu.memory_space<vmem_shared>>) target_semaphore(%arg22 : memref<!tpu.dma_semaphore, #tpu.memory_space<semaphore_mem>>)
    %dma_start3A_83 = tpu.memref_slice %arg20[%mul3A_2] : memref<8192xf32, #tpu.memory_space<vmem_shared>> -> memref<512xf32, #tpu.memory_space<vmem_shared>>
    %dma_start3A_84 = tpu.memref_slice %arg20[%mul3A_2] : memref<8192xf32, #tpu.memory_space<vmem_shared>> -> memref<512xf32, #tpu.memory_space<vmem_shared>>
    tpu.enqueue_dma source(%arg13 : memref<512xf32, #tpu.memory_space<vmem>>) target(%dma_start3A_84 : memref<512xf32, #tpu.memory_space<vmem_shared>>) target_semaphore(%arg22 : memref<!tpu.dma_semaphore, #tpu.memory_space<semaphore_mem>>)
    %dma_wait3A_85 = tpu.memref_slice %arg19[%mul3A_2] : memref<8192xf32, #tpu.memory_space<vmem_shared>> -> memref<512xf32, #tpu.memory_space<vmem_shared>>
    %dma_wait3A_86 = tpu.memref_slice %arg19[%mul3A_2] : memref<8192xf32, #tpu.memory_space<vmem_shared>> -> memref<512xf32, #tpu.memory_space<vmem_shared>>
    tpu.wait_dma2 semaphore(%arg22 : memref<!tpu.dma_semaphore, #tpu.memory_space<semaphore_mem>>) src(%arg12 : memref<512xf32, #tpu.memory_space<vmem>>) dst(%dma_wait3A_86 : memref<512xf32, #tpu.memory_space<vmem_shared>>)
    %dma_wait3A_87 = tpu.memref_slice %arg20[%mul3A_2] : memref<8192xf32, #tpu.memory_space<vmem_shared>> -> memref<512xf32, #tpu.memory_space<vmem_shared>>
    %dma_wait3A_88 = tpu.memref_slice %arg20[%mul3A_2] : memref<8192xf32, #tpu.memory_space<vmem_shared>> -> memref<512xf32, #tpu.memory_space<vmem_shared>>
    tpu.wait_dma2 semaphore(%arg22 : memref<!tpu.dma_semaphore, #tpu.memory_space<semaphore_mem>>) src(%arg13 : memref<512xf32, #tpu.memory_space<vmem>>) dst(%dma_wait3A_88 : memref<512xf32, #tpu.memory_space<vmem_shared>>)
    %barrier3A = arith.constant 0 : index
    tpu.barrier barrier_id(%barrier3A)
    %dma_start3A_89 = arith.constant 8 : i32
    %dma_start3A_90 = tpu.memref_slice %arg16[%dma_start3A_89] : memref<8208xf32, #tpu.memory_space<vmem>> -> memref<8192xf32, #tpu.memory_space<vmem>>
    %dma_start3A_91 = arith.constant 8 : i32
    %dma_start3A_92 = tpu.memref_slice %arg16[%dma_start3A_91] : memref<8208xf32, #tpu.memory_space<vmem>> -> memref<8192xf32, #tpu.memory_space<vmem>>
    tpu.enqueue_dma source(%arg19 : memref<8192xf32, #tpu.memory_space<vmem_shared>>) target(%dma_start3A_92 : memref<8192xf32, #tpu.memory_space<vmem>>) target_semaphore(%arg22 : memref<!tpu.dma_semaphore, #tpu.memory_space<semaphore_mem>>)
    %dma_start3A_93 = arith.constant 8 : i32
    %dma_start3A_94 = tpu.memref_slice %arg17[%dma_start3A_93] : memref<8208xf32, #tpu.memory_space<vmem>> -> memref<8192xf32, #tpu.memory_space<vmem>>
    %dma_start3A_95 = arith.constant 8 : i32
    %dma_start3A_96 = tpu.memref_slice %arg17[%dma_start3A_95] : memref<8208xf32, #tpu.memory_space<vmem>> -> memref<8192xf32, #tpu.memory_space<vmem>>
    tpu.enqueue_dma source(%arg20 : memref<8192xf32, #tpu.memory_space<vmem_shared>>) target(%dma_start3A_96 : memref<8192xf32, #tpu.memory_space<vmem>>) target_semaphore(%arg22 : memref<!tpu.dma_semaphore, #tpu.memory_space<semaphore_mem>>)
    %dma_wait3A_97 = arith.constant 8 : i32
    %dma_wait3A_98 = tpu.memref_slice %arg16[%dma_wait3A_97] : memref<8208xf32, #tpu.memory_space<vmem>> -> memref<8192xf32, #tpu.memory_space<vmem>>
    %dma_wait3A_99 = arith.constant 8 : i32
    %dma_wait3A_100 = tpu.memref_slice %arg16[%dma_wait3A_99] : memref<8208xf32, #tpu.memory_space<vmem>> -> memref<8192xf32, #tpu.memory_space<vmem>>
    tpu.wait_dma2 semaphore(%arg22 : memref<!tpu.dma_semaphore, #tpu.memory_space<semaphore_mem>>) src(%arg19 : memref<8192xf32, #tpu.memory_space<vmem_shared>>) dst(%dma_wait3A_100 : memref<8192xf32, #tpu.memory_space<vmem>>)
    %dma_wait3A_101 = arith.constant 8 : i32
    %dma_wait3A_102 = tpu.memref_slice %arg17[%dma_wait3A_101] : memref<8208xf32, #tpu.memory_space<vmem>> -> memref<8192xf32, #tpu.memory_space<vmem>>
    %dma_wait3A_103 = arith.constant 8 : i32
    %dma_wait3A_104 = tpu.memref_slice %arg17[%dma_wait3A_103] : memref<8208xf32, #tpu.memory_space<vmem>> -> memref<8192xf32, #tpu.memory_space<vmem>>
    tpu.wait_dma2 semaphore(%arg22 : memref<!tpu.dma_semaphore, #tpu.memory_space<semaphore_mem>>) src(%arg20 : memref<8192xf32, #tpu.memory_space<vmem_shared>>) dst(%dma_wait3A_104 : memref<8192xf32, #tpu.memory_space<vmem>>)
    %broadcast_in_dim3A_105 = arith.constant 8 : i32
    %broadcast_in_dim3A_106 = vector.broadcast %broadcast_in_dim3A_105 : i32 to vector<16xi32>
    %gather3A_107 = tpu.vector_load_idx %arg16[%broadcast_in_dim3A_106] : memref<8208xf32, #tpu.memory_space<vmem>>[vector<16xi32>], vector<16xf32>,
    %broadcast_in_dim3A_108 = arith.constant 9 : i32
    %broadcast_in_dim3A_109 = vector.broadcast %broadcast_in_dim3A_108 : i32 to vector<16xi32>
    %gather3A_110 = tpu.vector_load_idx %arg16[%broadcast_in_dim3A_109] : memref<8208xf32, #tpu.memory_space<vmem>>[vector<16xi32>], vector<16xf32>,
    %broadcast_in_dim3A_111 = arith.constant 8199 : i32
    %broadcast_in_dim3A_112 = vector.broadcast %broadcast_in_dim3A_111 : i32 to vector<16xi32>
    %gather3A_113 = tpu.vector_load_idx %arg16[%broadcast_in_dim3A_112] : memref<8208xf32, #tpu.memory_space<vmem>>[vector<16xi32>], vector<16xf32>,
    %broadcast_in_dim3A_114 = arith.constant 8198 : i32
    %broadcast_in_dim3A_115 = vector.broadcast %broadcast_in_dim3A_114 : i32 to vector<16xi32>
    %gather3A_116 = tpu.vector_load_idx %arg16[%broadcast_in_dim3A_115] : memref<8208xf32, #tpu.memory_space<vmem>>[vector<16xi32>], vector<16xf32>,
    %broadcast_in_dim3A_117 = arith.constant 8 : i32
    %broadcast_in_dim3A_118 = vector.broadcast %broadcast_in_dim3A_117 : i32 to vector<16xi32>
    %gather3A_119 = tpu.vector_load_idx %arg17[%broadcast_in_dim3A_118] : memref<8208xf32, #tpu.memory_space<vmem>>[vector<16xi32>], vector<16xf32>,
    %broadcast_in_dim3A_120 = arith.constant 9 : i32
    %broadcast_in_dim3A_121 = vector.broadcast %broadcast_in_dim3A_120 : i32 to vector<16xi32>
    %gather3A_122 = tpu.vector_load_idx %arg17[%broadcast_in_dim3A_121] : memref<8208xf32, #tpu.memory_space<vmem>>[vector<16xi32>], vector<16xf32>,
    %broadcast_in_dim3A_123 = arith.constant 8199 : i32
    %broadcast_in_dim3A_124 = vector.broadcast %broadcast_in_dim3A_123 : i32 to vector<16xi32>
    %gather3A_125 = tpu.vector_load_idx %arg17[%broadcast_in_dim3A_124] : memref<8208xf32, #tpu.memory_space<vmem>>[vector<16xi32>], vector<16xf32>,
    %broadcast_in_dim3A_126 = arith.constant 8198 : i32
    %broadcast_in_dim3A_127 = vector.broadcast %broadcast_in_dim3A_126 : i32 to vector<16xi32>
    %gather3A_128 = tpu.vector_load_idx %arg17[%broadcast_in_dim3A_127] : memref<8208xf32, #tpu.memory_space<vmem>>[vector<16xi32>], vector<16xf32>,
    %sub3A = arith.subf %gather3A_122, %gather3A_119 : vector<16xf32>
    %sub3A_129 = arith.subf %gather3A_110, %gather3A_107 : vector<16xf32>
    %div3A = arith.divf %sub3A, %sub3A_129 : vector<16xf32>
    %broadcast_in_dim3A_130 = arith.constant 0.000000e+00 : f32
    %broadcast_in_dim3A_131 = vector.broadcast %broadcast_in_dim3A_130 : f32 to vector<16xf32>
    %gt3A = arith.cmpf ogt, %gather3A_107, %broadcast_in_dim3A_131 : vector<16xf32>
    %mul3A_132 = arith.mulf %div3A, %gather3A_107 : vector<16xf32>
    %sub3A_133 = arith.subf %gather3A_119, %mul3A_132 : vector<16xf32>
    %select_n3A_134 = arith.select %gt3A, %sub3A_133, %gather3A_119 : vector<16xi1>, vector<16xf32>
    %sub3A_135 = arith.subf %gather3A_125, %gather3A_128 : vector<16xf32>
    %sub3A_136 = arith.subf %gather3A_113, %gather3A_116 : vector<16xf32>
    %div3A_137 = arith.divf %sub3A_135, %sub3A_136 : vector<16xf32>
    %broadcast_in_dim3A_138 = arith.constant 6.553500e+04 : f32
    %broadcast_in_dim3A_139 = vector.broadcast %broadcast_in_dim3A_138 : f32 to vector<16xf32>
    %sub3A_140 = arith.subf %broadcast_in_dim3A_139, %gather3A_113 : vector<16xf32>
    %mul3A_141 = arith.mulf %div3A_137, %sub3A_140 : vector<16xf32>
    %add3A_142 = arith.addf %gather3A_125, %mul3A_141 : vector<16xf32>
    %broadcast_in_dim3A_143 = arith.constant 6.553500e+04 : f32
    %broadcast_in_dim3A_144 = vector.broadcast %broadcast_in_dim3A_143 : f32 to vector<16xf32>
    %lt3A = arith.cmpf olt, %gather3A_113, %broadcast_in_dim3A_144 : vector<16xf32>
    %broadcast_in_dim3A_145 = arith.constant 1 : i32
    %broadcast_in_dim3A_146 = vector.broadcast %broadcast_in_dim3A_145 : i32 to vector<16xi32>
    %broadcast_in_dim3A_147 = arith.constant 0 : i32
    %broadcast_in_dim3A_148 = vector.broadcast %broadcast_in_dim3A_147 : i32 to vector<16xi32>
    %select_n3A_149 = arith.select %lt3A, %broadcast_in_dim3A_146, %broadcast_in_dim3A_148 : vector<16xi1>, vector<16xi32>
    %broadcast_in_dim3A_150 = arith.constant 6.553500e+04 : f32
    %broadcast_in_dim3A_151 = vector.broadcast %broadcast_in_dim3A_150 : f32 to vector<16xf32>
    %max3A = arith.maximumf %gather3A_113, %broadcast_in_dim3A_151 : vector<16xf32>
    %broadcast_in_dim3A_152 = arith.constant 0 : i32
    %broadcast_in_dim3A_153 = vector.broadcast %broadcast_in_dim3A_152 : i32 to vector<16xi32>
    %eq3A_154 = arith.cmpi eq, %iota3A, %broadcast_in_dim3A_153 : vector<16xi32>
    %broadcast_in_dim3A_155 = arith.constant 2 : i32
    %broadcast_in_dim3A_156 = vector.broadcast %broadcast_in_dim3A_155 : i32 to vector<16xi32>
    %lt3A_157 = arith.cmpi slt, %iota3A, %broadcast_in_dim3A_156 : vector<16xi32>
    %broadcast_in_dim3A_158 = arith.constant 6 : i32
    %broadcast_in_dim3A_159 = vector.broadcast %broadcast_in_dim3A_158 : i32 to vector<16xi32>
    %add3A_160 = arith.addi %iota3A, %broadcast_in_dim3A_159 : vector<16xi32>
    %broadcast_in_dim3A_161 = arith.constant -1.000000e+00 : f32
    %broadcast_in_dim3A_162 = vector.broadcast %broadcast_in_dim3A_161 : f32 to vector<16xf32>
    %broadcast_in_dim3A_163 = arith.constant 0.000000e+00 : f32
    %broadcast_in_dim3A_164 = vector.broadcast %broadcast_in_dim3A_163 : f32 to vector<16xf32>
    %select_n3A_165 = arith.select %eq3A_154, %broadcast_in_dim3A_162, %broadcast_in_dim3A_164 : vector<16xi1>, vector<16xf32>
    tpu.vector_store_idx %arg16[%add3A_160], %select_n3A_165 masked %lt3A_157 : memref<8208xf32, #tpu.memory_space<vmem>>[vector<16xi32>], vector<16xf32>, vector<16xi1>
    %broadcast_in_dim3A_166 = arith.constant 0.000000e+00 : f32
    %broadcast_in_dim3A_167 = vector.broadcast %broadcast_in_dim3A_166 : f32 to vector<16xf32>
    %select_n3A_168 = arith.select %eq3A_154, %broadcast_in_dim3A_167, %select_n3A_134 : vector<16xi1>, vector<16xf32>
    tpu.vector_store_idx %arg17[%add3A_160], %select_n3A_168 masked %lt3A_157 : memref<8208xf32, #tpu.memory_space<vmem>>[vector<16xi32>], vector<16xf32>, vector<16xi1>
    %broadcast_in_dim3A_169 = arith.constant 8200 : i32
    %broadcast_in_dim3A_170 = vector.broadcast %broadcast_in_dim3A_169 : i32 to vector<16xi32>
    tpu.vector_store_idx %arg16[%broadcast_in_dim3A_170], %max3A masked %eq3A_154 : memref<8208xf32, #tpu.memory_space<vmem>>[vector<16xi32>], vector<16xf32>, vector<16xi1>
    tpu.vector_store_idx %arg17[%broadcast_in_dim3A_170], %add3A_142 masked %eq3A_154 : memref<8208xf32, #tpu.memory_space<vmem>>[vector<16xi32>], vector<16xf32>, vector<16xi1>
    %get3A = arith.constant 0 : index
    %get3A_171 = tpu.vector_load %arg15[%get3A] {strides = array<i32>} : memref<48xf32, #tpu.memory_space<vmem>>, vector<16xf32>,
    %get3A_172 = arith.constant 16 : index
    %get3A_173 = tpu.vector_load %arg15[%get3A_172] {strides = array<i32>} : memref<48xf32, #tpu.memory_space<vmem>>, vector<16xf32>,
    %get3A_174 = arith.constant 32 : index
    %get3A_175 = tpu.vector_load %arg15[%get3A_174] {strides = array<i32>} : memref<48xf32, #tpu.memory_space<vmem>>, vector<16xf32>,
    %mul3A_176 = arith.constant 2048 : i32
    %mul3A_177 = arith.muli %add3A, %mul3A_176 : i32
    %broadcast_in_dim3A_178 = arith.constant 8192 : i32
    %broadcast_in_dim3A_179 = vector.broadcast %broadcast_in_dim3A_178 : i32 to vector<16xi32>
    %add3A_180 = arith.addi %select_n3A_149, %broadcast_in_dim3A_179 : vector<16xi32>
    %broadcast_in_dim3A_181 = vector.broadcast %mul3A_177 : i32 to vector<16xi32>
    %broadcast_in_dim3A_182 = arith.constant 1 : i32
    %broadcast_in_dim3A_183 = vector.broadcast %broadcast_in_dim3A_182 : i32 to vector<16xi32>
    %sub3A_184 = arith.subi %broadcast_in_dim3A_181, %broadcast_in_dim3A_183 : vector<16xi32>
    %convert_element_type3A = arith.sitofp %sub3A_184 : vector<16xi32> to vector<16xf32>
    %broadcast_in_dim3A_185 = arith.constant 0 : i32
    %broadcast_in_dim3A_186 = vector.broadcast %broadcast_in_dim3A_185 : i32 to vector<16xi32>
    %add3A_187 = arith.constant 8192 : i32
    %add3A_188 = vector.broadcast %add3A_187 : i32 to vector<16xi32>
    %add3A_189 = arith.addi %broadcast_in_dim3A_186, %add3A_188 : vector<16xi32>
    %broadcast_in_dim3A_190 = arith.constant 8193 : i32
    %broadcast_in_dim3A_191 = vector.broadcast %broadcast_in_dim3A_190 : i32 to vector<16xi32>
    %min3A = arith.minsi %add3A_189, %broadcast_in_dim3A_191 : vector<16xi32>
    %broadcast_in_dim3A_192 = arith.constant 7 : i32
    %broadcast_in_dim3A_193 = vector.broadcast %broadcast_in_dim3A_192 : i32 to vector<16xi32>
    %add3A_194 = arith.addi %min3A, %broadcast_in_dim3A_193 : vector<16xi32>
    %gather3A_195 = tpu.vector_load_idx %arg16[%add3A_194] : memref<8208xf32, #tpu.memory_space<vmem>>[vector<16xi32>], vector<16xf32>,
    %broadcast_in_dim3A_196 = arith.constant 8193 : i32
    %broadcast_in_dim3A_197 = vector.broadcast %broadcast_in_dim3A_196 : i32 to vector<16xi32>
    %le3A = arith.cmpi sle, %add3A_189, %broadcast_in_dim3A_197 : vector<16xi32>
    %le3A_198 = arith.cmpf ole, %gather3A_195, %convert_element_type3A : vector<16xf32>
    %and3A = arith.andi %le3A, %le3A_198 : vector<16xi1>
    %select_n3A_199 = arith.select %and3A, %add3A_189, %broadcast_in_dim3A_186 : vector<16xi1>, vector<16xi32>
    %add3A_200 = arith.constant 4096 : i32
    %add3A_201 = vector.broadcast %add3A_200 : i32 to vector<16xi32>
    %add3A_202 = arith.addi %select_n3A_199, %add3A_201 : vector<16xi32>
    %broadcast_in_dim3A_203 = arith.constant 8193 : i32
    %broadcast_in_dim3A_204 = vector.broadcast %broadcast_in_dim3A_203 : i32 to vector<16xi32>
    %min3A_205 = arith.minsi %add3A_202, %broadcast_in_dim3A_204 : vector<16xi32>
    %broadcast_in_dim3A_206 = arith.constant 7 : i32
    %broadcast_in_dim3A_207 = vector.broadcast %broadcast_in_dim3A_206 : i32 to vector<16xi32>
    %add3A_208 = arith.addi %min3A_205, %broadcast_in_dim3A_207 : vector<16xi32>
    %gather3A_209 = tpu.vector_load_idx %arg16[%add3A_208] : memref<8208xf32, #tpu.memory_space<vmem>>[vector<16xi32>], vector<16xf32>,
    %broadcast_in_dim3A_210 = arith.constant 8193 : i32
    %broadcast_in_dim3A_211 = vector.broadcast %broadcast_in_dim3A_210 : i32 to vector<16xi32>
    %le3A_212 = arith.cmpi sle, %add3A_202, %broadcast_in_dim3A_211 : vector<16xi32>
    %le3A_213 = arith.cmpf ole, %gather3A_209, %convert_element_type3A : vector<16xf32>
    %and3A_214 = arith.andi %le3A_212, %le3A_213 : vector<16xi1>
    %select_n3A_215 = arith.select %and3A_214, %add3A_202, %select_n3A_199 : vector<16xi1>, vector<16xi32>
    %add3A_216 = arith.constant 2048 : i32
    %add3A_217 = vector.broadcast %add3A_216 : i32 to vector<16xi32>
    %add3A_218 = arith.addi %select_n3A_215, %add3A_217 : vector<16xi32>
    %broadcast_in_dim3A_219 = arith.constant 8193 : i32
    %broadcast_in_dim3A_220 = vector.broadcast %broadcast_in_dim3A_219 : i32 to vector<16xi32>
    %min3A_221 = arith.minsi %add3A_218, %broadcast_in_dim3A_220 : vector<16xi32>
    %broadcast_in_dim3A_222 = arith.constant 7 : i32
    %broadcast_in_dim3A_223 = vector.broadcast %broadcast_in_dim3A_222 : i32 to vector<16xi32>
    %add3A_224 = arith.addi %min3A_221, %broadcast_in_dim3A_223 : vector<16xi32>
    %gather3A_225 = tpu.vector_load_idx %arg16[%add3A_224] : memref<8208xf32, #tpu.memory_space<vmem>>[vector<16xi32>], vector<16xf32>,
    %broadcast_in_dim3A_226 = arith.constant 8193 : i32
    %broadcast_in_dim3A_227 = vector.broadcast %broadcast_in_dim3A_226 : i32 to vector<16xi32>
    %le3A_228 = arith.cmpi sle, %add3A_218, %broadcast_in_dim3A_227 : vector<16xi32>
    %le3A_229 = arith.cmpf ole, %gather3A_225, %convert_element_type3A : vector<16xf32>
    %and3A_230 = arith.andi %le3A_228, %le3A_229 : vector<16xi1>
    %select_n3A_231 = arith.select %and3A_230, %add3A_218, %select_n3A_215 : vector<16xi1>, vector<16xi32>
    %add3A_232 = arith.constant 1024 : i32
    %add3A_233 = vector.broadcast %add3A_232 : i32 to vector<16xi32>
    %add3A_234 = arith.addi %select_n3A_231, %add3A_233 : vector<16xi32>
    %broadcast_in_dim3A_235 = arith.constant 8193 : i32
    %broadcast_in_dim3A_236 = vector.broadcast %broadcast_in_dim3A_235 : i32 to vector<16xi32>
    %min3A_237 = arith.minsi %add3A_234, %broadcast_in_dim3A_236 : vector<16xi32>
    %broadcast_in_dim3A_238 = arith.constant 7 : i32
    %broadcast_in_dim3A_239 = vector.broadcast %broadcast_in_dim3A_238 : i32 to vector<16xi32>
    %add3A_240 = arith.addi %min3A_237, %broadcast_in_dim3A_239 : vector<16xi32>
    %gather3A_241 = tpu.vector_load_idx %arg16[%add3A_240] : memref<8208xf32, #tpu.memory_space<vmem>>[vector<16xi32>], vector<16xf32>,
    %broadcast_in_dim3A_242 = arith.constant 8193 : i32
    %broadcast_in_dim3A_243 = vector.broadcast %broadcast_in_dim3A_242 : i32 to vector<16xi32>
    %le3A_244 = arith.cmpi sle, %add3A_234, %broadcast_in_dim3A_243 : vector<16xi32>
    %le3A_245 = arith.cmpf ole, %gather3A_241, %convert_element_type3A : vector<16xf32>
    %and3A_246 = arith.andi %le3A_244, %le3A_245 : vector<16xi1>
    %select_n3A_247 = arith.select %and3A_246, %add3A_234, %select_n3A_231 : vector<16xi1>, vector<16xi32>
    %add3A_248 = arith.constant 512 : i32
    %add3A_249 = vector.broadcast %add3A_248 : i32 to vector<16xi32>
    %add3A_250 = arith.addi %select_n3A_247, %add3A_249 : vector<16xi32>
    %broadcast_in_dim3A_251 = arith.constant 8193 : i32
    %broadcast_in_dim3A_252 = vector.broadcast %broadcast_in_dim3A_251 : i32 to vector<16xi32>
    %min3A_253 = arith.minsi %add3A_250, %broadcast_in_dim3A_252 : vector<16xi32>
    %broadcast_in_dim3A_254 = arith.constant 7 : i32
    %broadcast_in_dim3A_255 = vector.broadcast %broadcast_in_dim3A_254 : i32 to vector<16xi32>
    %add3A_256 = arith.addi %min3A_253, %broadcast_in_dim3A_255 : vector<16xi32>
    %gather3A_257 = tpu.vector_load_idx %arg16[%add3A_256] : memref<8208xf32, #tpu.memory_space<vmem>>[vector<16xi32>], vector<16xf32>,
    %broadcast_in_dim3A_258 = arith.constant 8193 : i32
    %broadcast_in_dim3A_259 = vector.broadcast %broadcast_in_dim3A_258 : i32 to vector<16xi32>
    %le3A_260 = arith.cmpi sle, %add3A_250, %broadcast_in_dim3A_259 : vector<16xi32>
    %le3A_261 = arith.cmpf ole, %gather3A_257, %convert_element_type3A : vector<16xf32>
    %and3A_262 = arith.andi %le3A_260, %le3A_261 : vector<16xi1>
    %select_n3A_263 = arith.select %and3A_262, %add3A_250, %select_n3A_247 : vector<16xi1>, vector<16xi32>
    %add3A_264 = arith.constant 256 : i32
    %add3A_265 = vector.broadcast %add3A_264 : i32 to vector<16xi32>
    %add3A_266 = arith.addi %select_n3A_263, %add3A_265 : vector<16xi32>
    %broadcast_in_dim3A_267 = arith.constant 8193 : i32
    %broadcast_in_dim3A_268 = vector.broadcast %broadcast_in_dim3A_267 : i32 to vector<16xi32>
    %min3A_269 = arith.minsi %add3A_266, %broadcast_in_dim3A_268 : vector<16xi32>
    %broadcast_in_dim3A_270 = arith.constant 7 : i32
    %broadcast_in_dim3A_271 = vector.broadcast %broadcast_in_dim3A_270 : i32 to vector<16xi32>
    %add3A_272 = arith.addi %min3A_269, %broadcast_in_dim3A_271 : vector<16xi32>
    %gather3A_273 = tpu.vector_load_idx %arg16[%add3A_272] : memref<8208xf32, #tpu.memory_space<vmem>>[vector<16xi32>], vector<16xf32>,
    %broadcast_in_dim3A_274 = arith.constant 8193 : i32
    %broadcast_in_dim3A_275 = vector.broadcast %broadcast_in_dim3A_274 : i32 to vector<16xi32>
    %le3A_276 = arith.cmpi sle, %add3A_266, %broadcast_in_dim3A_275 : vector<16xi32>
    %le3A_277 = arith.cmpf ole, %gather3A_273, %convert_element_type3A : vector<16xf32>
    %and3A_278 = arith.andi %le3A_276, %le3A_277 : vector<16xi1>
    %select_n3A_279 = arith.select %and3A_278, %add3A_266, %select_n3A_263 : vector<16xi1>, vector<16xi32>
    %add3A_280 = arith.constant 128 : i32
    %add3A_281 = vector.broadcast %add3A_280 : i32 to vector<16xi32>
    %add3A_282 = arith.addi %select_n3A_279, %add3A_281 : vector<16xi32>
    %broadcast_in_dim3A_283 = arith.constant 8193 : i32
    %broadcast_in_dim3A_284 = vector.broadcast %broadcast_in_dim3A_283 : i32 to vector<16xi32>
    %min3A_285 = arith.minsi %add3A_282, %broadcast_in_dim3A_284 : vector<16xi32>
    %broadcast_in_dim3A_286 = arith.constant 7 : i32
    %broadcast_in_dim3A_287 = vector.broadcast %broadcast_in_dim3A_286 : i32 to vector<16xi32>
    %add3A_288 = arith.addi %min3A_285, %broadcast_in_dim3A_287 : vector<16xi32>
    %gather3A_289 = tpu.vector_load_idx %arg16[%add3A_288] : memref<8208xf32, #tpu.memory_space<vmem>>[vector<16xi32>], vector<16xf32>,
    %broadcast_in_dim3A_290 = arith.constant 8193 : i32
    %broadcast_in_dim3A_291 = vector.broadcast %broadcast_in_dim3A_290 : i32 to vector<16xi32>
    %le3A_292 = arith.cmpi sle, %add3A_282, %broadcast_in_dim3A_291 : vector<16xi32>
    %le3A_293 = arith.cmpf ole, %gather3A_289, %convert_element_type3A : vector<16xf32>
    %and3A_294 = arith.andi %le3A_292, %le3A_293 : vector<16xi1>
    %select_n3A_295 = arith.select %and3A_294, %add3A_282, %select_n3A_279 : vector<16xi1>, vector<16xi32>
    %add3A_296 = arith.constant 64 : i32
    %add3A_297 = vector.broadcast %add3A_296 : i32 to vector<16xi32>
    %add3A_298 = arith.addi %select_n3A_295, %add3A_297 : vector<16xi32>
    %broadcast_in_dim3A_299 = arith.constant 8193 : i32
    %broadcast_in_dim3A_300 = vector.broadcast %broadcast_in_dim3A_299 : i32 to vector<16xi32>
    %min3A_301 = arith.minsi %add3A_298, %broadcast_in_dim3A_300 : vector<16xi32>
    %broadcast_in_dim3A_302 = arith.constant 7 : i32
    %broadcast_in_dim3A_303 = vector.broadcast %broadcast_in_dim3A_302 : i32 to vector<16xi32>
    %add3A_304 = arith.addi %min3A_301, %broadcast_in_dim3A_303 : vector<16xi32>
    %gather3A_305 = tpu.vector_load_idx %arg16[%add3A_304] : memref<8208xf32, #tpu.memory_space<vmem>>[vector<16xi32>], vector<16xf32>,
    %broadcast_in_dim3A_306 = arith.constant 8193 : i32
    %broadcast_in_dim3A_307 = vector.broadcast %broadcast_in_dim3A_306 : i32 to vector<16xi32>
    %le3A_308 = arith.cmpi sle, %add3A_298, %broadcast_in_dim3A_307 : vector<16xi32>
    %le3A_309 = arith.cmpf ole, %gather3A_305, %convert_element_type3A : vector<16xf32>
    %and3A_310 = arith.andi %le3A_308, %le3A_309 : vector<16xi1>
    %select_n3A_311 = arith.select %and3A_310, %add3A_298, %select_n3A_295 : vector<16xi1>, vector<16xi32>
    %add3A_312 = arith.constant 32 : i32
    %add3A_313 = vector.broadcast %add3A_312 : i32 to vector<16xi32>
    %add3A_314 = arith.addi %select_n3A_311, %add3A_313 : vector<16xi32>
    %broadcast_in_dim3A_315 = arith.constant 8193 : i32
    %broadcast_in_dim3A_316 = vector.broadcast %broadcast_in_dim3A_315 : i32 to vector<16xi32>
    %min3A_317 = arith.minsi %add3A_314, %broadcast_in_dim3A_316 : vector<16xi32>
    %broadcast_in_dim3A_318 = arith.constant 7 : i32
    %broadcast_in_dim3A_319 = vector.broadcast %broadcast_in_dim3A_318 : i32 to vector<16xi32>
    %add3A_320 = arith.addi %min3A_317, %broadcast_in_dim3A_319 : vector<16xi32>
    %gather3A_321 = tpu.vector_load_idx %arg16[%add3A_320] : memref<8208xf32, #tpu.memory_space<vmem>>[vector<16xi32>], vector<16xf32>,
    %broadcast_in_dim3A_322 = arith.constant 8193 : i32
    %broadcast_in_dim3A_323 = vector.broadcast %broadcast_in_dim3A_322 : i32 to vector<16xi32>
    %le3A_324 = arith.cmpi sle, %add3A_314, %broadcast_in_dim3A_323 : vector<16xi32>
    %le3A_325 = arith.cmpf ole, %gather3A_321, %convert_element_type3A : vector<16xf32>
    %and3A_326 = arith.andi %le3A_324, %le3A_325 : vector<16xi1>
    %select_n3A_327 = arith.select %and3A_326, %add3A_314, %select_n3A_311 : vector<16xi1>, vector<16xi32>
    %add3A_328 = arith.constant 16 : i32
    %add3A_329 = vector.broadcast %add3A_328 : i32 to vector<16xi32>
    %add3A_330 = arith.addi %select_n3A_327, %add3A_329 : vector<16xi32>
    %broadcast_in_dim3A_331 = arith.constant 8193 : i32
    %broadcast_in_dim3A_332 = vector.broadcast %broadcast_in_dim3A_331 : i32 to vector<16xi32>
    %min3A_333 = arith.minsi %add3A_330, %broadcast_in_dim3A_332 : vector<16xi32>
    %broadcast_in_dim3A_334 = arith.constant 7 : i32
    %broadcast_in_dim3A_335 = vector.broadcast %broadcast_in_dim3A_334 : i32 to vector<16xi32>
    %add3A_336 = arith.addi %min3A_333, %broadcast_in_dim3A_335 : vector<16xi32>
    %gather3A_337 = tpu.vector_load_idx %arg16[%add3A_336] : memref<8208xf32, #tpu.memory_space<vmem>>[vector<16xi32>], vector<16xf32>,
    %broadcast_in_dim3A_338 = arith.constant 8193 : i32
    %broadcast_in_dim3A_339 = vector.broadcast %broadcast_in_dim3A_338 : i32 to vector<16xi32>
    %le3A_340 = arith.cmpi sle, %add3A_330, %broadcast_in_dim3A_339 : vector<16xi32>
    %le3A_341 = arith.cmpf ole, %gather3A_337, %convert_element_type3A : vector<16xf32>
    %and3A_342 = arith.andi %le3A_340, %le3A_341 : vector<16xi1>
    %select_n3A_343 = arith.select %and3A_342, %add3A_330, %select_n3A_327 : vector<16xi1>, vector<16xi32>
    %add3A_344 = arith.constant 8 : i32
    %add3A_345 = vector.broadcast %add3A_344 : i32 to vector<16xi32>
    %add3A_346 = arith.addi %select_n3A_343, %add3A_345 : vector<16xi32>
    %broadcast_in_dim3A_347 = arith.constant 8193 : i32
    %broadcast_in_dim3A_348 = vector.broadcast %broadcast_in_dim3A_347 : i32 to vector<16xi32>
    %min3A_349 = arith.minsi %add3A_346, %broadcast_in_dim3A_348 : vector<16xi32>
    %broadcast_in_dim3A_350 = arith.constant 7 : i32
    %broadcast_in_dim3A_351 = vector.broadcast %broadcast_in_dim3A_350 : i32 to vector<16xi32>
    %add3A_352 = arith.addi %min3A_349, %broadcast_in_dim3A_351 : vector<16xi32>
    %gather3A_353 = tpu.vector_load_idx %arg16[%add3A_352] : memref<8208xf32, #tpu.memory_space<vmem>>[vector<16xi32>], vector<16xf32>,
    %broadcast_in_dim3A_354 = arith.constant 8193 : i32
    %broadcast_in_dim3A_355 = vector.broadcast %broadcast_in_dim3A_354 : i32 to vector<16xi32>
    %le3A_356 = arith.cmpi sle, %add3A_346, %broadcast_in_dim3A_355 : vector<16xi32>
    %le3A_357 = arith.cmpf ole, %gather3A_353, %convert_element_type3A : vector<16xf32>
    %and3A_358 = arith.andi %le3A_356, %le3A_357 : vector<16xi1>
    %select_n3A_359 = arith.select %and3A_358, %add3A_346, %select_n3A_343 : vector<16xi1>, vector<16xi32>
    %add3A_360 = arith.constant 4 : i32
    %add3A_361 = vector.broadcast %add3A_360 : i32 to vector<16xi32>
    %add3A_362 = arith.addi %select_n3A_359, %add3A_361 : vector<16xi32>
    %broadcast_in_dim3A_363 = arith.constant 8193 : i32
    %broadcast_in_dim3A_364 = vector.broadcast %broadcast_in_dim3A_363 : i32 to vector<16xi32>
    %min3A_365 = arith.minsi %add3A_362, %broadcast_in_dim3A_364 : vector<16xi32>
    %broadcast_in_dim3A_366 = arith.constant 7 : i32
    %broadcast_in_dim3A_367 = vector.broadcast %broadcast_in_dim3A_366 : i32 to vector<16xi32>
    %add3A_368 = arith.addi %min3A_365, %broadcast_in_dim3A_367 : vector<16xi32>
    %gather3A_369 = tpu.vector_load_idx %arg16[%add3A_368] : memref<8208xf32, #tpu.memory_space<vmem>>[vector<16xi32>], vector<16xf32>,
    %broadcast_in_dim3A_370 = arith.constant 8193 : i32
    %broadcast_in_dim3A_371 = vector.broadcast %broadcast_in_dim3A_370 : i32 to vector<16xi32>
    %le3A_372 = arith.cmpi sle, %add3A_362, %broadcast_in_dim3A_371 : vector<16xi32>
    %le3A_373 = arith.cmpf ole, %gather3A_369, %convert_element_type3A : vector<16xf32>
    %and3A_374 = arith.andi %le3A_372, %le3A_373 : vector<16xi1>
    %select_n3A_375 = arith.select %and3A_374, %add3A_362, %select_n3A_359 : vector<16xi1>, vector<16xi32>
    %add3A_376 = arith.constant 2 : i32
    %add3A_377 = vector.broadcast %add3A_376 : i32 to vector<16xi32>
    %add3A_378 = arith.addi %select_n3A_375, %add3A_377 : vector<16xi32>
    %broadcast_in_dim3A_379 = arith.constant 8193 : i32
    %broadcast_in_dim3A_380 = vector.broadcast %broadcast_in_dim3A_379 : i32 to vector<16xi32>
    %min3A_381 = arith.minsi %add3A_378, %broadcast_in_dim3A_380 : vector<16xi32>
    %broadcast_in_dim3A_382 = arith.constant 7 : i32
    %broadcast_in_dim3A_383 = vector.broadcast %broadcast_in_dim3A_382 : i32 to vector<16xi32>
    %add3A_384 = arith.addi %min3A_381, %broadcast_in_dim3A_383 : vector<16xi32>
    %gather3A_385 = tpu.vector_load_idx %arg16[%add3A_384] : memref<8208xf32, #tpu.memory_space<vmem>>[vector<16xi32>], vector<16xf32>,
    %broadcast_in_dim3A_386 = arith.constant 8193 : i32
    %broadcast_in_dim3A_387 = vector.broadcast %broadcast_in_dim3A_386 : i32 to vector<16xi32>
    %le3A_388 = arith.cmpi sle, %add3A_378, %broadcast_in_dim3A_387 : vector<16xi32>
    %le3A_389 = arith.cmpf ole, %gather3A_385, %convert_element_type3A : vector<16xf32>
    %and3A_390 = arith.andi %le3A_388, %le3A_389 : vector<16xi1>
    %select_n3A_391 = arith.select %and3A_390, %add3A_378, %select_n3A_375 : vector<16xi1>, vector<16xi32>
    %add3A_392 = arith.constant 1 : i32
    %add3A_393 = vector.broadcast %add3A_392 : i32 to vector<16xi32>
    %add3A_394 = arith.addi %select_n3A_391, %add3A_393 : vector<16xi32>
    %broadcast_in_dim3A_395 = arith.constant 8193 : i32
    %broadcast_in_dim3A_396 = vector.broadcast %broadcast_in_dim3A_395 : i32 to vector<16xi32>
    %min3A_397 = arith.minsi %add3A_394, %broadcast_in_dim3A_396 : vector<16xi32>
    %broadcast_in_dim3A_398 = arith.constant 7 : i32
    %broadcast_in_dim3A_399 = vector.broadcast %broadcast_in_dim3A_398 : i32 to vector<16xi32>
    %add3A_400 = arith.addi %min3A_397, %broadcast_in_dim3A_399 : vector<16xi32>
    %gather3A_401 = tpu.vector_load_idx %arg16[%add3A_400] : memref<8208xf32, #tpu.memory_space<vmem>>[vector<16xi32>], vector<16xf32>,
    %broadcast_in_dim3A_402 = arith.constant 8193 : i32
    %broadcast_in_dim3A_403 = vector.broadcast %broadcast_in_dim3A_402 : i32 to vector<16xi32>
    %le3A_404 = arith.cmpi sle, %add3A_394, %broadcast_in_dim3A_403 : vector<16xi32>
    %le3A_405 = arith.cmpf ole, %gather3A_401, %convert_element_type3A : vector<16xf32>
    %and3A_406 = arith.andi %le3A_404, %le3A_405 : vector<16xi1>
    %select_n3A_407 = arith.select %and3A_406, %add3A_394, %select_n3A_391 : vector<16xi1>, vector<16xi32>
    %broadcast_in_dim3A_408 = arith.constant 2.047000e+03 : f32
    %broadcast_in_dim3A_409 = vector.broadcast %broadcast_in_dim3A_408 : f32 to vector<16xf32>
    %broadcast_in_dim3A_410 = vector.broadcast %mul3A_177 : i32 to vector<16xi32>
    %convert_element_type3A_411 = arith.sitofp %broadcast_in_dim3A_410 : vector<16xi32> to vector<16xf32>
    %add3A_412 = arith.addf %broadcast_in_dim3A_409, %convert_element_type3A_411 : vector<16xf32>
    %broadcast_in_dim3A_413 = arith.constant 0 : i32
    %broadcast_in_dim3A_414 = vector.broadcast %broadcast_in_dim3A_413 : i32 to vector<16xi32>
    %add3A_415 = arith.constant 8192 : i32
    %add3A_416 = vector.broadcast %add3A_415 : i32 to vector<16xi32>
    %add3A_417 = arith.addi %broadcast_in_dim3A_414, %add3A_416 : vector<16xi32>
    %broadcast_in_dim3A_418 = arith.constant 8193 : i32
    %broadcast_in_dim3A_419 = vector.broadcast %broadcast_in_dim3A_418 : i32 to vector<16xi32>
    %min3A_420 = arith.minsi %add3A_417, %broadcast_in_dim3A_419 : vector<16xi32>
    %broadcast_in_dim3A_421 = arith.constant 7 : i32
    %broadcast_in_dim3A_422 = vector.broadcast %broadcast_in_dim3A_421 : i32 to vector<16xi32>
    %add3A_423 = arith.addi %min3A_420, %broadcast_in_dim3A_422 : vector<16xi32>
    %gather3A_424 = tpu.vector_load_idx %arg16[%add3A_423] : memref<8208xf32, #tpu.memory_space<vmem>>[vector<16xi32>], vector<16xf32>,
    %broadcast_in_dim3A_425 = arith.constant 8193 : i32
    %broadcast_in_dim3A_426 = vector.broadcast %broadcast_in_dim3A_425 : i32 to vector<16xi32>
    %le3A_427 = arith.cmpi sle, %add3A_417, %broadcast_in_dim3A_426 : vector<16xi32>
    %le3A_428 = arith.cmpf ole, %gather3A_424, %add3A_412 : vector<16xf32>
    %and3A_429 = arith.andi %le3A_427, %le3A_428 : vector<16xi1>
    %select_n3A_430 = arith.select %and3A_429, %add3A_417, %broadcast_in_dim3A_414 : vector<16xi1>, vector<16xi32>
    %add3A_431 = arith.constant 4096 : i32
    %add3A_432 = vector.broadcast %add3A_431 : i32 to vector<16xi32>
    %add3A_433 = arith.addi %select_n3A_430, %add3A_432 : vector<16xi32>
    %broadcast_in_dim3A_434 = arith.constant 8193 : i32
    %broadcast_in_dim3A_435 = vector.broadcast %broadcast_in_dim3A_434 : i32 to vector<16xi32>
    %min3A_436 = arith.minsi %add3A_433, %broadcast_in_dim3A_435 : vector<16xi32>
    %broadcast_in_dim3A_437 = arith.constant 7 : i32
    %broadcast_in_dim3A_438 = vector.broadcast %broadcast_in_dim3A_437 : i32 to vector<16xi32>
    %add3A_439 = arith.addi %min3A_436, %broadcast_in_dim3A_438 : vector<16xi32>
    %gather3A_440 = tpu.vector_load_idx %arg16[%add3A_439] : memref<8208xf32, #tpu.memory_space<vmem>>[vector<16xi32>], vector<16xf32>,
    %broadcast_in_dim3A_441 = arith.constant 8193 : i32
    %broadcast_in_dim3A_442 = vector.broadcast %broadcast_in_dim3A_441 : i32 to vector<16xi32>
    %le3A_443 = arith.cmpi sle, %add3A_433, %broadcast_in_dim3A_442 : vector<16xi32>
    %le3A_444 = arith.cmpf ole, %gather3A_440, %add3A_412 : vector<16xf32>
    %and3A_445 = arith.andi %le3A_443, %le3A_444 : vector<16xi1>
    %select_n3A_446 = arith.select %and3A_445, %add3A_433, %select_n3A_430 : vector<16xi1>, vector<16xi32>
    %add3A_447 = arith.constant 2048 : i32
    %add3A_448 = vector.broadcast %add3A_447 : i32 to vector<16xi32>
    %add3A_449 = arith.addi %select_n3A_446, %add3A_448 : vector<16xi32>
    %broadcast_in_dim3A_450 = arith.constant 8193 : i32
    %broadcast_in_dim3A_451 = vector.broadcast %broadcast_in_dim3A_450 : i32 to vector<16xi32>
    %min3A_452 = arith.minsi %add3A_449, %broadcast_in_dim3A_451 : vector<16xi32>
    %broadcast_in_dim3A_453 = arith.constant 7 : i32
    %broadcast_in_dim3A_454 = vector.broadcast %broadcast_in_dim3A_453 : i32 to vector<16xi32>
    %add3A_455 = arith.addi %min3A_452, %broadcast_in_dim3A_454 : vector<16xi32>
    %gather3A_456 = tpu.vector_load_idx %arg16[%add3A_455] : memref<8208xf32, #tpu.memory_space<vmem>>[vector<16xi32>], vector<16xf32>,
    %broadcast_in_dim3A_457 = arith.constant 8193 : i32
    %broadcast_in_dim3A_458 = vector.broadcast %broadcast_in_dim3A_457 : i32 to vector<16xi32>
    %le3A_459 = arith.cmpi sle, %add3A_449, %broadcast_in_dim3A_458 : vector<16xi32>
    %le3A_460 = arith.cmpf ole, %gather3A_456, %add3A_412 : vector<16xf32>
    %and3A_461 = arith.andi %le3A_459, %le3A_460 : vector<16xi1>
    %select_n3A_462 = arith.select %and3A_461, %add3A_449, %select_n3A_446 : vector<16xi1>, vector<16xi32>
    %add3A_463 = arith.constant 1024 : i32
    %add3A_464 = vector.broadcast %add3A_463 : i32 to vector<16xi32>
    %add3A_465 = arith.addi %select_n3A_462, %add3A_464 : vector<16xi32>
    %broadcast_in_dim3A_466 = arith.constant 8193 : i32
    %broadcast_in_dim3A_467 = vector.broadcast %broadcast_in_dim3A_466 : i32 to vector<16xi32>
    %min3A_468 = arith.minsi %add3A_465, %broadcast_in_dim3A_467 : vector<16xi32>
    %broadcast_in_dim3A_469 = arith.constant 7 : i32
    %broadcast_in_dim3A_470 = vector.broadcast %broadcast_in_dim3A_469 : i32 to vector<16xi32>
    %add3A_471 = arith.addi %min3A_468, %broadcast_in_dim3A_470 : vector<16xi32>
    %gather3A_472 = tpu.vector_load_idx %arg16[%add3A_471] : memref<8208xf32, #tpu.memory_space<vmem>>[vector<16xi32>], vector<16xf32>,
    %broadcast_in_dim3A_473 = arith.constant 8193 : i32
    %broadcast_in_dim3A_474 = vector.broadcast %broadcast_in_dim3A_473 : i32 to vector<16xi32>
    %le3A_475 = arith.cmpi sle, %add3A_465, %broadcast_in_dim3A_474 : vector<16xi32>
    %le3A_476 = arith.cmpf ole, %gather3A_472, %add3A_412 : vector<16xf32>
    %and3A_477 = arith.andi %le3A_475, %le3A_476 : vector<16xi1>
    %select_n3A_478 = arith.select %and3A_477, %add3A_465, %select_n3A_462 : vector<16xi1>, vector<16xi32>
    %add3A_479 = arith.constant 512 : i32
    %add3A_480 = vector.broadcast %add3A_479 : i32 to vector<16xi32>
    %add3A_481 = arith.addi %select_n3A_478, %add3A_480 : vector<16xi32>
    %broadcast_in_dim3A_482 = arith.constant 8193 : i32
    %broadcast_in_dim3A_483 = vector.broadcast %broadcast_in_dim3A_482 : i32 to vector<16xi32>
    %min3A_484 = arith.minsi %add3A_481, %broadcast_in_dim3A_483 : vector<16xi32>
    %broadcast_in_dim3A_485 = arith.constant 7 : i32
    %broadcast_in_dim3A_486 = vector.broadcast %broadcast_in_dim3A_485 : i32 to vector<16xi32>
    %add3A_487 = arith.addi %min3A_484, %broadcast_in_dim3A_486 : vector<16xi32>
    %gather3A_488 = tpu.vector_load_idx %arg16[%add3A_487] : memref<8208xf32, #tpu.memory_space<vmem>>[vector<16xi32>], vector<16xf32>,
    %broadcast_in_dim3A_489 = arith.constant 8193 : i32
    %broadcast_in_dim3A_490 = vector.broadcast %broadcast_in_dim3A_489 : i32 to vector<16xi32>
    %le3A_491 = arith.cmpi sle, %add3A_481, %broadcast_in_dim3A_490 : vector<16xi32>
    %le3A_492 = arith.cmpf ole, %gather3A_488, %add3A_412 : vector<16xf32>
    %and3A_493 = arith.andi %le3A_491, %le3A_492 : vector<16xi1>
    %select_n3A_494 = arith.select %and3A_493, %add3A_481, %select_n3A_478 : vector<16xi1>, vector<16xi32>
    %add3A_495 = arith.constant 256 : i32
    %add3A_496 = vector.broadcast %add3A_495 : i32 to vector<16xi32>
    %add3A_497 = arith.addi %select_n3A_494, %add3A_496 : vector<16xi32>
    %broadcast_in_dim3A_498 = arith.constant 8193 : i32
    %broadcast_in_dim3A_499 = vector.broadcast %broadcast_in_dim3A_498 : i32 to vector<16xi32>
    %min3A_500 = arith.minsi %add3A_497, %broadcast_in_dim3A_499 : vector<16xi32>
    %broadcast_in_dim3A_501 = arith.constant 7 : i32
    %broadcast_in_dim3A_502 = vector.broadcast %broadcast_in_dim3A_501 : i32 to vector<16xi32>
    %add3A_503 = arith.addi %min3A_500, %broadcast_in_dim3A_502 : vector<16xi32>
    %gather3A_504 = tpu.vector_load_idx %arg16[%add3A_503] : memref<8208xf32, #tpu.memory_space<vmem>>[vector<16xi32>], vector<16xf32>,
    %broadcast_in_dim3A_505 = arith.constant 8193 : i32
    %broadcast_in_dim3A_506 = vector.broadcast %broadcast_in_dim3A_505 : i32 to vector<16xi32>
    %le3A_507 = arith.cmpi sle, %add3A_497, %broadcast_in_dim3A_506 : vector<16xi32>
    %le3A_508 = arith.cmpf ole, %gather3A_504, %add3A_412 : vector<16xf32>
    %and3A_509 = arith.andi %le3A_507, %le3A_508 : vector<16xi1>
    %select_n3A_510 = arith.select %and3A_509, %add3A_497, %select_n3A_494 : vector<16xi1>, vector<16xi32>
    %add3A_511 = arith.constant 128 : i32
    %add3A_512 = vector.broadcast %add3A_511 : i32 to vector<16xi32>
    %add3A_513 = arith.addi %select_n3A_510, %add3A_512 : vector<16xi32>
    %broadcast_in_dim3A_514 = arith.constant 8193 : i32
    %broadcast_in_dim3A_515 = vector.broadcast %broadcast_in_dim3A_514 : i32 to vector<16xi32>
    %min3A_516 = arith.minsi %add3A_513, %broadcast_in_dim3A_515 : vector<16xi32>
    %broadcast_in_dim3A_517 = arith.constant 7 : i32
    %broadcast_in_dim3A_518 = vector.broadcast %broadcast_in_dim3A_517 : i32 to vector<16xi32>
    %add3A_519 = arith.addi %min3A_516, %broadcast_in_dim3A_518 : vector<16xi32>
    %gather3A_520 = tpu.vector_load_idx %arg16[%add3A_519] : memref<8208xf32, #tpu.memory_space<vmem>>[vector<16xi32>], vector<16xf32>,
    %broadcast_in_dim3A_521 = arith.constant 8193 : i32
    %broadcast_in_dim3A_522 = vector.broadcast %broadcast_in_dim3A_521 : i32 to vector<16xi32>
    %le3A_523 = arith.cmpi sle, %add3A_513, %broadcast_in_dim3A_522 : vector<16xi32>
    %le3A_524 = arith.cmpf ole, %gather3A_520, %add3A_412 : vector<16xf32>
    %and3A_525 = arith.andi %le3A_523, %le3A_524 : vector<16xi1>
    %select_n3A_526 = arith.select %and3A_525, %add3A_513, %select_n3A_510 : vector<16xi1>, vector<16xi32>
    %add3A_527 = arith.constant 64 : i32
    %add3A_528 = vector.broadcast %add3A_527 : i32 to vector<16xi32>
    %add3A_529 = arith.addi %select_n3A_526, %add3A_528 : vector<16xi32>
    %broadcast_in_dim3A_530 = arith.constant 8193 : i32
    %broadcast_in_dim3A_531 = vector.broadcast %broadcast_in_dim3A_530 : i32 to vector<16xi32>
    %min3A_532 = arith.minsi %add3A_529, %broadcast_in_dim3A_531 : vector<16xi32>
    %broadcast_in_dim3A_533 = arith.constant 7 : i32
    %broadcast_in_dim3A_534 = vector.broadcast %broadcast_in_dim3A_533 : i32 to vector<16xi32>
    %add3A_535 = arith.addi %min3A_532, %broadcast_in_dim3A_534 : vector<16xi32>
    %gather3A_536 = tpu.vector_load_idx %arg16[%add3A_535] : memref<8208xf32, #tpu.memory_space<vmem>>[vector<16xi32>], vector<16xf32>,
    %broadcast_in_dim3A_537 = arith.constant 8193 : i32
    %broadcast_in_dim3A_538 = vector.broadcast %broadcast_in_dim3A_537 : i32 to vector<16xi32>
    %le3A_539 = arith.cmpi sle, %add3A_529, %broadcast_in_dim3A_538 : vector<16xi32>
    %le3A_540 = arith.cmpf ole, %gather3A_536, %add3A_412 : vector<16xf32>
    %and3A_541 = arith.andi %le3A_539, %le3A_540 : vector<16xi1>
    %select_n3A_542 = arith.select %and3A_541, %add3A_529, %select_n3A_526 : vector<16xi1>, vector<16xi32>
    %add3A_543 = arith.constant 32 : i32
    %add3A_544 = vector.broadcast %add3A_543 : i32 to vector<16xi32>
    %add3A_545 = arith.addi %select_n3A_542, %add3A_544 : vector<16xi32>
    %broadcast_in_dim3A_546 = arith.constant 8193 : i32
    %broadcast_in_dim3A_547 = vector.broadcast %broadcast_in_dim3A_546 : i32 to vector<16xi32>
    %min3A_548 = arith.minsi %add3A_545, %broadcast_in_dim3A_547 : vector<16xi32>
    %broadcast_in_dim3A_549 = arith.constant 7 : i32
    %broadcast_in_dim3A_550 = vector.broadcast %broadcast_in_dim3A_549 : i32 to vector<16xi32>
    %add3A_551 = arith.addi %min3A_548, %broadcast_in_dim3A_550 : vector<16xi32>
    %gather3A_552 = tpu.vector_load_idx %arg16[%add3A_551] : memref<8208xf32, #tpu.memory_space<vmem>>[vector<16xi32>], vector<16xf32>,
    %broadcast_in_dim3A_553 = arith.constant 8193 : i32
    %broadcast_in_dim3A_554 = vector.broadcast %broadcast_in_dim3A_553 : i32 to vector<16xi32>
    %le3A_555 = arith.cmpi sle, %add3A_545, %broadcast_in_dim3A_554 : vector<16xi32>
    %le3A_556 = arith.cmpf ole, %gather3A_552, %add3A_412 : vector<16xf32>
    %and3A_557 = arith.andi %le3A_555, %le3A_556 : vector<16xi1>
    %select_n3A_558 = arith.select %and3A_557, %add3A_545, %select_n3A_542 : vector<16xi1>, vector<16xi32>
    %add3A_559 = arith.constant 16 : i32
    %add3A_560 = vector.broadcast %add3A_559 : i32 to vector<16xi32>
    %add3A_561 = arith.addi %select_n3A_558, %add3A_560 : vector<16xi32>
    %broadcast_in_dim3A_562 = arith.constant 8193 : i32
    %broadcast_in_dim3A_563 = vector.broadcast %broadcast_in_dim3A_562 : i32 to vector<16xi32>
    %min3A_564 = arith.minsi %add3A_561, %broadcast_in_dim3A_563 : vector<16xi32>
    %broadcast_in_dim3A_565 = arith.constant 7 : i32
    %broadcast_in_dim3A_566 = vector.broadcast %broadcast_in_dim3A_565 : i32 to vector<16xi32>
    %add3A_567 = arith.addi %min3A_564, %broadcast_in_dim3A_566 : vector<16xi32>
    %gather3A_568 = tpu.vector_load_idx %arg16[%add3A_567] : memref<8208xf32, #tpu.memory_space<vmem>>[vector<16xi32>], vector<16xf32>,
    %broadcast_in_dim3A_569 = arith.constant 8193 : i32
    %broadcast_in_dim3A_570 = vector.broadcast %broadcast_in_dim3A_569 : i32 to vector<16xi32>
    %le3A_571 = arith.cmpi sle, %add3A_561, %broadcast_in_dim3A_570 : vector<16xi32>
    %le3A_572 = arith.cmpf ole, %gather3A_568, %add3A_412 : vector<16xf32>
    %and3A_573 = arith.andi %le3A_571, %le3A_572 : vector<16xi1>
    %select_n3A_574 = arith.select %and3A_573, %add3A_561, %select_n3A_558 : vector<16xi1>, vector<16xi32>
    %add3A_575 = arith.constant 8 : i32
    %add3A_576 = vector.broadcast %add3A_575 : i32 to vector<16xi32>
    %add3A_577 = arith.addi %select_n3A_574, %add3A_576 : vector<16xi32>
    %broadcast_in_dim3A_578 = arith.constant 8193 : i32
    %broadcast_in_dim3A_579 = vector.broadcast %broadcast_in_dim3A_578 : i32 to vector<16xi32>
    %min3A_580 = arith.minsi %add3A_577, %broadcast_in_dim3A_579 : vector<16xi32>
    %broadcast_in_dim3A_581 = arith.constant 7 : i32
    %broadcast_in_dim3A_582 = vector.broadcast %broadcast_in_dim3A_581 : i32 to vector<16xi32>
    %add3A_583 = arith.addi %min3A_580, %broadcast_in_dim3A_582 : vector<16xi32>
    %gather3A_584 = tpu.vector_load_idx %arg16[%add3A_583] : memref<8208xf32, #tpu.memory_space<vmem>>[vector<16xi32>], vector<16xf32>,
    %broadcast_in_dim3A_585 = arith.constant 8193 : i32
    %broadcast_in_dim3A_586 = vector.broadcast %broadcast_in_dim3A_585 : i32 to vector<16xi32>
    %le3A_587 = arith.cmpi sle, %add3A_577, %broadcast_in_dim3A_586 : vector<16xi32>
    %le3A_588 = arith.cmpf ole, %gather3A_584, %add3A_412 : vector<16xf32>
    %and3A_589 = arith.andi %le3A_587, %le3A_588 : vector<16xi1>
    %select_n3A_590 = arith.select %and3A_589, %add3A_577, %select_n3A_574 : vector<16xi1>, vector<16xi32>
    %add3A_591 = arith.constant 4 : i32
    %add3A_592 = vector.broadcast %add3A_591 : i32 to vector<16xi32>
    %add3A_593 = arith.addi %select_n3A_590, %add3A_592 : vector<16xi32>
    %broadcast_in_dim3A_594 = arith.constant 8193 : i32
    %broadcast_in_dim3A_595 = vector.broadcast %broadcast_in_dim3A_594 : i32 to vector<16xi32>
    %min3A_596 = arith.minsi %add3A_593, %broadcast_in_dim3A_595 : vector<16xi32>
    %broadcast_in_dim3A_597 = arith.constant 7 : i32
    %broadcast_in_dim3A_598 = vector.broadcast %broadcast_in_dim3A_597 : i32 to vector<16xi32>
    %add3A_599 = arith.addi %min3A_596, %broadcast_in_dim3A_598 : vector<16xi32>
    %gather3A_600 = tpu.vector_load_idx %arg16[%add3A_599] : memref<8208xf32, #tpu.memory_space<vmem>>[vector<16xi32>], vector<16xf32>,
    %broadcast_in_dim3A_601 = arith.constant 8193 : i32
    %broadcast_in_dim3A_602 = vector.broadcast %broadcast_in_dim3A_601 : i32 to vector<16xi32>
    %le3A_603 = arith.cmpi sle, %add3A_593, %broadcast_in_dim3A_602 : vector<16xi32>
    %le3A_604 = arith.cmpf ole, %gather3A_600, %add3A_412 : vector<16xf32>
    %and3A_605 = arith.andi %le3A_603, %le3A_604 : vector<16xi1>
    %select_n3A_606 = arith.select %and3A_605, %add3A_593, %select_n3A_590 : vector<16xi1>, vector<16xi32>
    %add3A_607 = arith.constant 2 : i32
    %add3A_608 = vector.broadcast %add3A_607 : i32 to vector<16xi32>
    %add3A_609 = arith.addi %select_n3A_606, %add3A_608 : vector<16xi32>
    %broadcast_in_dim3A_610 = arith.constant 8193 : i32
    %broadcast_in_dim3A_611 = vector.broadcast %broadcast_in_dim3A_610 : i32 to vector<16xi32>
    %min3A_612 = arith.minsi %add3A_609, %broadcast_in_dim3A_611 : vector<16xi32>
    %broadcast_in_dim3A_613 = arith.constant 7 : i32
    %broadcast_in_dim3A_614 = vector.broadcast %broadcast_in_dim3A_613 : i32 to vector<16xi32>
    %add3A_615 = arith.addi %min3A_612, %broadcast_in_dim3A_614 : vector<16xi32>
    %gather3A_616 = tpu.vector_load_idx %arg16[%add3A_615] : memref<8208xf32, #tpu.memory_space<vmem>>[vector<16xi32>], vector<16xf32>,
    %broadcast_in_dim3A_617 = arith.constant 8193 : i32
    %broadcast_in_dim3A_618 = vector.broadcast %broadcast_in_dim3A_617 : i32 to vector<16xi32>
    %le3A_619 = arith.cmpi sle, %add3A_609, %broadcast_in_dim3A_618 : vector<16xi32>
    %le3A_620 = arith.cmpf ole, %gather3A_616, %add3A_412 : vector<16xf32>
    %and3A_621 = arith.andi %le3A_619, %le3A_620 : vector<16xi1>
    %select_n3A_622 = arith.select %and3A_621, %add3A_609, %select_n3A_606 : vector<16xi1>, vector<16xi32>
    %add3A_623 = arith.constant 1 : i32
    %add3A_624 = vector.broadcast %add3A_623 : i32 to vector<16xi32>
    %add3A_625 = arith.addi %select_n3A_622, %add3A_624 : vector<16xi32>
    %broadcast_in_dim3A_626 = arith.constant 8193 : i32
    %broadcast_in_dim3A_627 = vector.broadcast %broadcast_in_dim3A_626 : i32 to vector<16xi32>
    %min3A_628 = arith.minsi %add3A_625, %broadcast_in_dim3A_627 : vector<16xi32>
    %broadcast_in_dim3A_629 = arith.constant 7 : i32
    %broadcast_in_dim3A_630 = vector.broadcast %broadcast_in_dim3A_629 : i32 to vector<16xi32>
    %add3A_631 = arith.addi %min3A_628, %broadcast_in_dim3A_630 : vector<16xi32>
    %gather3A_632 = tpu.vector_load_idx %arg16[%add3A_631] : memref<8208xf32, #tpu.memory_space<vmem>>[vector<16xi32>], vector<16xf32>,
    %broadcast_in_dim3A_633 = arith.constant 8193 : i32
    %broadcast_in_dim3A_634 = vector.broadcast %broadcast_in_dim3A_633 : i32 to vector<16xi32>
    %le3A_635 = arith.cmpi sle, %add3A_625, %broadcast_in_dim3A_634 : vector<16xi32>
    %le3A_636 = arith.cmpf ole, %gather3A_632, %add3A_412 : vector<16xf32>
    %and3A_637 = arith.andi %le3A_635, %le3A_636 : vector<16xi1>
    %select_n3A_638 = arith.select %and3A_637, %add3A_625, %select_n3A_622 : vector<16xi1>, vector<16xi32>
    %sub3A_639 = arith.subi %select_n3A_638, %select_n3A_407 : vector<16xi32>
    %reduce_max3A = arith.constant true
    %reduce_max3A_640 = vector.broadcast %reduce_max3A : i1 to vector<16xi1>
    %reduce_max3A_641 = arith.constant -2147483648 : i32
    %reduce_max3A_642 = vector.broadcast %reduce_max3A_641 : i32 to vector<16xi32>
    %reduce_max3A_643 = arith.xori %sub3A_639, %reduce_max3A_642 : vector<16xi32>
    %reduce_max3A_644 = tpu.scan <max>, %reduce_max3A_643 masked %reduce_max3A_640 : vector<16xi32>, vector<16xi1> -> vector<16xi32>
    %reduce_max3A_645 = arith.xori %reduce_max3A_644, %reduce_max3A_642 : vector<16xi32>
    %reduce_max3A_646 = vector.extract %reduce_max3A_645[15] : i32 from vector<16xi32>
    %ge3A = arith.constant 1 : i32
    %ge3A_647 = arith.cmpi sge, %reduce_max3A_646, %ge3A : i32
    %jit3A = arith.constant 1 : i32
    %jit3A_648 = arith.constant 0 : i32
    %select_n3A_649 = arith.select %ge3A_647, %jit3A, %jit3A_648 : i32
    %add3A_650 = arith.constant 0 : i32
    %add3A_651 = arith.addi %add3A_650, %select_n3A_649 : i32
    %ge3A_652 = arith.constant 2 : i32
    %ge3A_653 = arith.cmpi sge, %reduce_max3A_646, %ge3A_652 : i32
    %jit3A_654 = arith.constant 1 : i32
    %jit3A_655 = arith.constant 0 : i32
    %select_n3A_656 = arith.select %ge3A_653, %jit3A_654, %jit3A_655 : i32
    %add3A_657 = arith.addi %add3A_651, %select_n3A_656 : i32
    %ge3A_658 = arith.constant 4 : i32
    %ge3A_659 = arith.cmpi sge, %reduce_max3A_646, %ge3A_658 : i32
    %jit3A_660 = arith.constant 1 : i32
    %jit3A_661 = arith.constant 0 : i32
    %select_n3A_662 = arith.select %ge3A_659, %jit3A_660, %jit3A_661 : i32
    %add3A_663 = arith.addi %add3A_657, %select_n3A_662 : i32
    %ge3A_664 = arith.constant 8 : i32
    %ge3A_665 = arith.cmpi sge, %reduce_max3A_646, %ge3A_664 : i32
    %jit3A_666 = arith.constant 1 : i32
    %jit3A_667 = arith.constant 0 : i32
    %select_n3A_668 = arith.select %ge3A_665, %jit3A_666, %jit3A_667 : i32
    %add3A_669 = arith.addi %add3A_663, %select_n3A_668 : i32
    %ge3A_670 = arith.constant 16 : i32
    %ge3A_671 = arith.cmpi sge, %reduce_max3A_646, %ge3A_670 : i32
    %jit3A_672 = arith.constant 1 : i32
    %jit3A_673 = arith.constant 0 : i32
    %select_n3A_674 = arith.select %ge3A_671, %jit3A_672, %jit3A_673 : i32
    %add3A_675 = arith.addi %add3A_669, %select_n3A_674 : i32
    %ge3A_676 = arith.constant 32 : i32
    %ge3A_677 = arith.cmpi sge, %reduce_max3A_646, %ge3A_676 : i32
    %jit3A_678 = arith.constant 1 : i32
    %jit3A_679 = arith.constant 0 : i32
    %select_n3A_680 = arith.select %ge3A_677, %jit3A_678, %jit3A_679 : i32
    %add3A_681 = arith.addi %add3A_675, %select_n3A_680 : i32
    %ge3A_682 = arith.constant 64 : i32
    %ge3A_683 = arith.cmpi sge, %reduce_max3A_646, %ge3A_682 : i32
    %jit3A_684 = arith.constant 1 : i32
    %jit3A_685 = arith.constant 0 : i32
    %select_n3A_686 = arith.select %ge3A_683, %jit3A_684, %jit3A_685 : i32
    %add3A_687 = arith.addi %add3A_681, %select_n3A_686 : i32
    %ge3A_688 = arith.constant 128 : i32
    %ge3A_689 = arith.cmpi sge, %reduce_max3A_646, %ge3A_688 : i32
    %jit3A_690 = arith.constant 1 : i32
    %jit3A_691 = arith.constant 0 : i32
    %select_n3A_692 = arith.select %ge3A_689, %jit3A_690, %jit3A_691 : i32
    %add3A_693 = arith.addi %add3A_687, %select_n3A_692 : i32
    %ge3A_694 = arith.constant 256 : i32
    %ge3A_695 = arith.cmpi sge, %reduce_max3A_646, %ge3A_694 : i32
    %jit3A_696 = arith.constant 1 : i32
    %jit3A_697 = arith.constant 0 : i32
    %select_n3A_698 = arith.select %ge3A_695, %jit3A_696, %jit3A_697 : i32
    %add3A_699 = arith.addi %add3A_693, %select_n3A_698 : i32
    %ge3A_700 = arith.constant 512 : i32
    %ge3A_701 = arith.cmpi sge, %reduce_max3A_646, %ge3A_700 : i32
    %jit3A_702 = arith.constant 1 : i32
    %jit3A_703 = arith.constant 0 : i32
    %select_n3A_704 = arith.select %ge3A_701, %jit3A_702, %jit3A_703 : i32
    %add3A_705 = arith.addi %add3A_699, %select_n3A_704 : i32
    %ge3A_706 = arith.constant 1024 : i32
    %ge3A_707 = arith.cmpi sge, %reduce_max3A_646, %ge3A_706 : i32
    %jit3A_708 = arith.constant 1 : i32
    %jit3A_709 = arith.constant 0 : i32
    %select_n3A_710 = arith.select %ge3A_707, %jit3A_708, %jit3A_709 : i32
    %add3A_711 = arith.addi %add3A_705, %select_n3A_710 : i32
    %ge3A_712 = arith.constant 2048 : i32
    %ge3A_713 = arith.cmpi sge, %reduce_max3A_646, %ge3A_712 : i32
    %jit3A_714 = arith.constant 1 : i32
    %jit3A_715 = arith.constant 0 : i32
    %select_n3A_716 = arith.select %ge3A_713, %jit3A_714, %jit3A_715 : i32
    %add3A_717 = arith.addi %add3A_711, %select_n3A_716 : i32
    %ge3A_718 = arith.constant 4096 : i32
    %ge3A_719 = arith.cmpi sge, %reduce_max3A_646, %ge3A_718 : i32
    %jit3A_720 = arith.constant 1 : i32
    %jit3A_721 = arith.constant 0 : i32
    %select_n3A_722 = arith.select %ge3A_719, %jit3A_720, %jit3A_721 : i32
    %add3A_723 = arith.addi %add3A_717, %select_n3A_722 : i32
    %ge3A_724 = arith.constant 8192 : i32
    %ge3A_725 = arith.cmpi sge, %reduce_max3A_646, %ge3A_724 : i32
    %jit3A_726 = arith.constant 1 : i32
    %jit3A_727 = arith.constant 0 : i32
    %select_n3A_728 = arith.select %ge3A_725, %jit3A_726, %jit3A_727 : i32
    %add3A_729 = arith.addi %add3A_723, %select_n3A_728 : i32
    %broadcast_in_dim3A_730 = arith.constant 7 : i32
    %broadcast_in_dim3A_731 = vector.broadcast %broadcast_in_dim3A_730 : i32 to vector<16xi32>
    %add3A_732 = arith.addi %select_n3A_407, %broadcast_in_dim3A_731 : vector<16xi32>
    %scan3A_733 = arith.constant 0 : i32
    %scan3A_734 = arith.constant 0 : i32
    %scan3A_735 = arith.constant 16 : i32
    %scan3A_736 = arith.addi %scan3A_734, %scan3A_735 : i32
    %scan3A_737 = arith.constant 1 : i32
    scf.for %scan3A_739 = %scan3A_734 to %scan3A_736 step %scan3A_737  : i32 {
      %mul3A_740 = arith.constant 8 : i32
      %mul3A_741 = arith.muli %scan3A_739, %mul3A_740 : i32
      %add3A_742 = arith.constant 0 : i32
      %add3A_743 = arith.addi %mul3A_741, %add3A_742 : i32
      %mul3A_744 = arith.constant 16 : i32
      %mul3A_745 = arith.muli %add3A_743, %mul3A_744 : i32
      %add3A_746 = vector.broadcast %mul3A_745 : i32 to vector<16xi32>
      %add3A_747 = arith.addi %add3A_746, %iota3A : vector<16xi32>
      %add3A_748 = vector.broadcast %mul3A_177 : i32 to vector<16xi32>
      %add3A_749 = arith.addi %add3A_748, %add3A_747 : vector<16xi32>
      %convert_element_type3A_750 = arith.sitofp %add3A_749 : vector<16xi32> to vector<16xf32>
      %broadcast_in_dim3A_751 = arith.constant 0 : i32
      %broadcast_in_dim3A_752 = vector.broadcast %broadcast_in_dim3A_751 : i32 to vector<16xi32>
      %mul3A_753 = arith.constant 8 : i32
      %mul3A_754 = arith.muli %scan3A_739, %mul3A_753 : i32
      %add3A_755 = arith.constant 1 : i32
      %add3A_756 = arith.addi %mul3A_754, %add3A_755 : i32
      %mul3A_757 = arith.constant 16 : i32
      %mul3A_758 = arith.muli %add3A_756, %mul3A_757 : i32
      %add3A_759 = vector.broadcast %mul3A_758 : i32 to vector<16xi32>
      %add3A_760 = arith.addi %add3A_759, %iota3A : vector<16xi32>
      %add3A_761 = vector.broadcast %mul3A_177 : i32 to vector<16xi32>
      %add3A_762 = arith.addi %add3A_761, %add3A_760 : vector<16xi32>
      %convert_element_type3A_763 = arith.sitofp %add3A_762 : vector<16xi32> to vector<16xf32>
      %broadcast_in_dim3A_764 = arith.constant 0 : i32
      %broadcast_in_dim3A_765 = vector.broadcast %broadcast_in_dim3A_764 : i32 to vector<16xi32>
      %mul3A_766 = arith.constant 8 : i32
      %mul3A_767 = arith.muli %scan3A_739, %mul3A_766 : i32
      %add3A_768 = arith.constant 2 : i32
      %add3A_769 = arith.addi %mul3A_767, %add3A_768 : i32
      %mul3A_770 = arith.constant 16 : i32
      %mul3A_771 = arith.muli %add3A_769, %mul3A_770 : i32
      %add3A_772 = vector.broadcast %mul3A_771 : i32 to vector<16xi32>
      %add3A_773 = arith.addi %add3A_772, %iota3A : vector<16xi32>
      %add3A_774 = vector.broadcast %mul3A_177 : i32 to vector<16xi32>
      %add3A_775 = arith.addi %add3A_774, %add3A_773 : vector<16xi32>
      %convert_element_type3A_776 = arith.sitofp %add3A_775 : vector<16xi32> to vector<16xf32>
      %broadcast_in_dim3A_777 = arith.constant 0 : i32
      %broadcast_in_dim3A_778 = vector.broadcast %broadcast_in_dim3A_777 : i32 to vector<16xi32>
      %mul3A_779 = arith.constant 8 : i32
      %mul3A_780 = arith.muli %scan3A_739, %mul3A_779 : i32
      %add3A_781 = arith.constant 3 : i32
      %add3A_782 = arith.addi %mul3A_780, %add3A_781 : i32
      %mul3A_783 = arith.constant 16 : i32
      %mul3A_784 = arith.muli %add3A_782, %mul3A_783 : i32
      %add3A_785 = vector.broadcast %mul3A_784 : i32 to vector<16xi32>
      %add3A_786 = arith.addi %add3A_785, %iota3A : vector<16xi32>
      %add3A_787 = vector.broadcast %mul3A_177 : i32 to vector<16xi32>
      %add3A_788 = arith.addi %add3A_787, %add3A_786 : vector<16xi32>
      %convert_element_type3A_789 = arith.sitofp %add3A_788 : vector<16xi32> to vector<16xf32>
      %broadcast_in_dim3A_790 = arith.constant 0 : i32
      %broadcast_in_dim3A_791 = vector.broadcast %broadcast_in_dim3A_790 : i32 to vector<16xi32>
      %mul3A_792 = arith.constant 8 : i32
      %mul3A_793 = arith.muli %scan3A_739, %mul3A_792 : i32
      %add3A_794 = arith.constant 4 : i32
      %add3A_795 = arith.addi %mul3A_793, %add3A_794 : i32
      %mul3A_796 = arith.constant 16 : i32
      %mul3A_797 = arith.muli %add3A_795, %mul3A_796 : i32
      %add3A_798 = vector.broadcast %mul3A_797 : i32 to vector<16xi32>
      %add3A_799 = arith.addi %add3A_798, %iota3A : vector<16xi32>
      %add3A_800 = vector.broadcast %mul3A_177 : i32 to vector<16xi32>
      %add3A_801 = arith.addi %add3A_800, %add3A_799 : vector<16xi32>
      %convert_element_type3A_802 = arith.sitofp %add3A_801 : vector<16xi32> to vector<16xf32>
      %broadcast_in_dim3A_803 = arith.constant 0 : i32
      %broadcast_in_dim3A_804 = vector.broadcast %broadcast_in_dim3A_803 : i32 to vector<16xi32>
      %mul3A_805 = arith.constant 8 : i32
      %mul3A_806 = arith.muli %scan3A_739, %mul3A_805 : i32
      %add3A_807 = arith.constant 5 : i32
      %add3A_808 = arith.addi %mul3A_806, %add3A_807 : i32
      %mul3A_809 = arith.constant 16 : i32
      %mul3A_810 = arith.muli %add3A_808, %mul3A_809 : i32
      %add3A_811 = vector.broadcast %mul3A_810 : i32 to vector<16xi32>
      %add3A_812 = arith.addi %add3A_811, %iota3A : vector<16xi32>
      %add3A_813 = vector.broadcast %mul3A_177 : i32 to vector<16xi32>
      %add3A_814 = arith.addi %add3A_813, %add3A_812 : vector<16xi32>
      %convert_element_type3A_815 = arith.sitofp %add3A_814 : vector<16xi32> to vector<16xf32>
      %broadcast_in_dim3A_816 = arith.constant 0 : i32
      %broadcast_in_dim3A_817 = vector.broadcast %broadcast_in_dim3A_816 : i32 to vector<16xi32>
      %mul3A_818 = arith.constant 8 : i32
      %mul3A_819 = arith.muli %scan3A_739, %mul3A_818 : i32
      %add3A_820 = arith.constant 6 : i32
      %add3A_821 = arith.addi %mul3A_819, %add3A_820 : i32
      %mul3A_822 = arith.constant 16 : i32
      %mul3A_823 = arith.muli %add3A_821, %mul3A_822 : i32
      %add3A_824 = vector.broadcast %mul3A_823 : i32 to vector<16xi32>
      %add3A_825 = arith.addi %add3A_824, %iota3A : vector<16xi32>
      %add3A_826 = vector.broadcast %mul3A_177 : i32 to vector<16xi32>
      %add3A_827 = arith.addi %add3A_826, %add3A_825 : vector<16xi32>
      %convert_element_type3A_828 = arith.sitofp %add3A_827 : vector<16xi32> to vector<16xf32>
      %broadcast_in_dim3A_829 = arith.constant 0 : i32
      %broadcast_in_dim3A_830 = vector.broadcast %broadcast_in_dim3A_829 : i32 to vector<16xi32>
      %mul3A_831 = arith.constant 8 : i32
      %mul3A_832 = arith.muli %scan3A_739, %mul3A_831 : i32
      %add3A_833 = arith.constant 7 : i32
      %add3A_834 = arith.addi %mul3A_832, %add3A_833 : i32
      %mul3A_835 = arith.constant 16 : i32
      %mul3A_836 = arith.muli %add3A_834, %mul3A_835 : i32
      %add3A_837 = vector.broadcast %mul3A_836 : i32 to vector<16xi32>
      %add3A_838 = arith.addi %add3A_837, %iota3A : vector<16xi32>
      %add3A_839 = vector.broadcast %mul3A_177 : i32 to vector<16xi32>
      %add3A_840 = arith.addi %add3A_839, %add3A_838 : vector<16xi32>
      %convert_element_type3A_841 = arith.sitofp %add3A_840 : vector<16xi32> to vector<16xf32>
      %broadcast_in_dim3A_842 = arith.constant 0 : i32
      %broadcast_in_dim3A_843 = vector.broadcast %broadcast_in_dim3A_842 : i32 to vector<16xi32>
      %while3A = arith.constant 0 : i32
      %while3A_844 = arith.subi %add3A_729, %while3A : i32
      %while3A_845 = arith.addi %while3A, %while3A_844 : i32
      %while3A_846 = arith.constant 1 : i32
      %while3A_847 = arith.divsi %while3A_844, %while3A_846 : i32
      %while3A_848 = arith.muli %while3A_847, %while3A_846 : i32
      %while3A_849 = arith.addi %while3A, %while3A_848 : i32
      %while3A_850 = arith.constant 1 : i32
      %while3A_851:8 = scf.for %while3A_1142 = %while3A to %while3A_849 step %while3A_850 iter_args(%while3A_1143 = %broadcast_in_dim3A_752, %while3A_1144 = %broadcast_in_dim3A_765, %while3A_1145 = %broadcast_in_dim3A_778, %while3A_1146 = %broadcast_in_dim3A_791, %while3A_1147 = %broadcast_in_dim3A_804, %while3A_1148 = %broadcast_in_dim3A_817, %while3A_1149 = %broadcast_in_dim3A_830, %while3A_1150 = %broadcast_in_dim3A_843) -> (vector<16xi32>, vector<16xi32>, vector<16xi32>, vector<16xi32>, vector<16xi32>, vector<16xi32>, vector<16xi32>, vector<16xi32>)  : i32 {
        %sub3A_1151 = arith.constant 1 : i32
        %sub3A_1152 = arith.subi %add3A_729, %sub3A_1151 : i32
        %sub3A_1153 = arith.subi %sub3A_1152, %while3A_1142 : i32
        %shift_left3A = arith.constant 1 : i32
        %shift_left3A_1154 = arith.shli %shift_left3A, %sub3A_1153 : i32
        %broadcast_in_dim3A_1155 = vector.broadcast %shift_left3A_1154 : i32 to vector<16xi32>
        %add3A_1156 = arith.addi %while3A_1143, %broadcast_in_dim3A_1155 : vector<16xi32>
        %min3A_1157 = arith.minsi %add3A_1156, %sub3A_639 : vector<16xi32>
        %add3A_1158 = arith.addi %min3A_1157, %add3A_732 : vector<16xi32>
        %gather3A_1159 = tpu.vector_load_idx %arg16[%add3A_1158] : memref<8208xf32, #tpu.memory_space<vmem>>[vector<16xi32>], vector<16xf32>,
        %le3A_1160 = arith.cmpi sle, %add3A_1156, %sub3A_639 : vector<16xi32>
        %le3A_1161 = arith.cmpf ole, %gather3A_1159, %convert_element_type3A_750 : vector<16xf32>
        %and3A_1162 = arith.andi %le3A_1160, %le3A_1161 : vector<16xi1>
        %select_n3A_1163 = arith.select %and3A_1162, %add3A_1156, %while3A_1143 : vector<16xi1>, vector<16xi32>
        %add3A_1164 = arith.addi %while3A_1144, %broadcast_in_dim3A_1155 : vector<16xi32>
        %min3A_1165 = arith.minsi %add3A_1164, %sub3A_639 : vector<16xi32>
        %add3A_1166 = arith.addi %min3A_1165, %add3A_732 : vector<16xi32>
        %gather3A_1167 = tpu.vector_load_idx %arg16[%add3A_1166] : memref<8208xf32, #tpu.memory_space<vmem>>[vector<16xi32>], vector<16xf32>,
        %le3A_1168 = arith.cmpi sle, %add3A_1164, %sub3A_639 : vector<16xi32>
        %le3A_1169 = arith.cmpf ole, %gather3A_1167, %convert_element_type3A_763 : vector<16xf32>
        %and3A_1170 = arith.andi %le3A_1168, %le3A_1169 : vector<16xi1>
        %select_n3A_1171 = arith.select %and3A_1170, %add3A_1164, %while3A_1144 : vector<16xi1>, vector<16xi32>
        %add3A_1172 = arith.addi %while3A_1145, %broadcast_in_dim3A_1155 : vector<16xi32>
        %min3A_1173 = arith.minsi %add3A_1172, %sub3A_639 : vector<16xi32>
        %add3A_1174 = arith.addi %min3A_1173, %add3A_732 : vector<16xi32>
        %gather3A_1175 = tpu.vector_load_idx %arg16[%add3A_1174] : memref<8208xf32, #tpu.memory_space<vmem>>[vector<16xi32>], vector<16xf32>,
        %le3A_1176 = arith.cmpi sle, %add3A_1172, %sub3A_639 : vector<16xi32>
        %le3A_1177 = arith.cmpf ole, %gather3A_1175, %convert_element_type3A_776 : vector<16xf32>
        %and3A_1178 = arith.andi %le3A_1176, %le3A_1177 : vector<16xi1>
        %select_n3A_1179 = arith.select %and3A_1178, %add3A_1172, %while3A_1145 : vector<16xi1>, vector<16xi32>
        %add3A_1180 = arith.addi %while3A_1146, %broadcast_in_dim3A_1155 : vector<16xi32>
        %min3A_1181 = arith.minsi %add3A_1180, %sub3A_639 : vector<16xi32>
        %add3A_1182 = arith.addi %min3A_1181, %add3A_732 : vector<16xi32>
        %gather3A_1183 = tpu.vector_load_idx %arg16[%add3A_1182] : memref<8208xf32, #tpu.memory_space<vmem>>[vector<16xi32>], vector<16xf32>,
        %le3A_1184 = arith.cmpi sle, %add3A_1180, %sub3A_639 : vector<16xi32>
        %le3A_1185 = arith.cmpf ole, %gather3A_1183, %convert_element_type3A_789 : vector<16xf32>
        %and3A_1186 = arith.andi %le3A_1184, %le3A_1185 : vector<16xi1>
        %select_n3A_1187 = arith.select %and3A_1186, %add3A_1180, %while3A_1146 : vector<16xi1>, vector<16xi32>
        %add3A_1188 = arith.addi %while3A_1147, %broadcast_in_dim3A_1155 : vector<16xi32>
        %min3A_1189 = arith.minsi %add3A_1188, %sub3A_639 : vector<16xi32>
        %add3A_1190 = arith.addi %min3A_1189, %add3A_732 : vector<16xi32>
        %gather3A_1191 = tpu.vector_load_idx %arg16[%add3A_1190] : memref<8208xf32, #tpu.memory_space<vmem>>[vector<16xi32>], vector<16xf32>,
        %le3A_1192 = arith.cmpi sle, %add3A_1188, %sub3A_639 : vector<16xi32>
        %le3A_1193 = arith.cmpf ole, %gather3A_1191, %convert_element_type3A_802 : vector<16xf32>
        %and3A_1194 = arith.andi %le3A_1192, %le3A_1193 : vector<16xi1>
        %select_n3A_1195 = arith.select %and3A_1194, %add3A_1188, %while3A_1147 : vector<16xi1>, vector<16xi32>
        %add3A_1196 = arith.addi %while3A_1148, %broadcast_in_dim3A_1155 : vector<16xi32>
        %min3A_1197 = arith.minsi %add3A_1196, %sub3A_639 : vector<16xi32>
        %add3A_1198 = arith.addi %min3A_1197, %add3A_732 : vector<16xi32>
        %gather3A_1199 = tpu.vector_load_idx %arg16[%add3A_1198] : memref<8208xf32, #tpu.memory_space<vmem>>[vector<16xi32>], vector<16xf32>,
        %le3A_1200 = arith.cmpi sle, %add3A_1196, %sub3A_639 : vector<16xi32>
        %le3A_1201 = arith.cmpf ole, %gather3A_1199, %convert_element_type3A_815 : vector<16xf32>
        %and3A_1202 = arith.andi %le3A_1200, %le3A_1201 : vector<16xi1>
        %select_n3A_1203 = arith.select %and3A_1202, %add3A_1196, %while3A_1148 : vector<16xi1>, vector<16xi32>
        %add3A_1204 = arith.addi %while3A_1149, %broadcast_in_dim3A_1155 : vector<16xi32>
        %min3A_1205 = arith.minsi %add3A_1204, %sub3A_639 : vector<16xi32>
        %add3A_1206 = arith.addi %min3A_1205, %add3A_732 : vector<16xi32>
        %gather3A_1207 = tpu.vector_load_idx %arg16[%add3A_1206] : memref<8208xf32, #tpu.memory_space<vmem>>[vector<16xi32>], vector<16xf32>,
        %le3A_1208 = arith.cmpi sle, %add3A_1204, %sub3A_639 : vector<16xi32>
        %le3A_1209 = arith.cmpf ole, %gather3A_1207, %convert_element_type3A_828 : vector<16xf32>
        %and3A_1210 = arith.andi %le3A_1208, %le3A_1209 : vector<16xi1>
        %select_n3A_1211 = arith.select %and3A_1210, %add3A_1204, %while3A_1149 : vector<16xi1>, vector<16xi32>
        %add3A_1212 = arith.addi %while3A_1150, %broadcast_in_dim3A_1155 : vector<16xi32>
        %min3A_1213 = arith.minsi %add3A_1212, %sub3A_639 : vector<16xi32>
        %add3A_1214 = arith.addi %min3A_1213, %add3A_732 : vector<16xi32>
        %gather3A_1215 = tpu.vector_load_idx %arg16[%add3A_1214] : memref<8208xf32, #tpu.memory_space<vmem>>[vector<16xi32>], vector<16xf32>,
        %le3A_1216 = arith.cmpi sle, %add3A_1212, %sub3A_639 : vector<16xi32>
        %le3A_1217 = arith.cmpf ole, %gather3A_1215, %convert_element_type3A_841 : vector<16xf32>
        %and3A_1218 = arith.andi %le3A_1216, %le3A_1217 : vector<16xi1>
        %select_n3A_1219 = arith.select %and3A_1218, %add3A_1212, %while3A_1150 : vector<16xi1>, vector<16xi32>
        scf.yield %select_n3A_1163, %select_n3A_1171, %select_n3A_1179, %select_n3A_1187, %select_n3A_1195, %select_n3A_1203, %select_n3A_1211, %select_n3A_1219 : vector<16xi32>, vector<16xi32>, vector<16xi32>, vector<16xi32>, vector<16xi32>, vector<16xi32>, vector<16xi32>, vector<16xi32>
      }
      %while3A_852 = arith.constant 1 : i32
      %while3A_853:8 = scf.for %while3A_1142 = %while3A_849 to %while3A_845 step %while3A_852 iter_args(%while3A_1143 = %while3A_851#0, %while3A_1144 = %while3A_851#1, %while3A_1145 = %while3A_851#2, %while3A_1146 = %while3A_851#3, %while3A_1147 = %while3A_851#4, %while3A_1148 = %while3A_851#5, %while3A_1149 = %while3A_851#6, %while3A_1150 = %while3A_851#7) -> (vector<16xi32>, vector<16xi32>, vector<16xi32>, vector<16xi32>, vector<16xi32>, vector<16xi32>, vector<16xi32>, vector<16xi32>)  : i32 {
        %sub3A_1151 = arith.constant 1 : i32
        %sub3A_1152 = arith.subi %add3A_729, %sub3A_1151 : i32
        %sub3A_1153 = arith.subi %sub3A_1152, %while3A_1142 : i32
        %shift_left3A = arith.constant 1 : i32
        %shift_left3A_1154 = arith.shli %shift_left3A, %sub3A_1153 : i32
        %broadcast_in_dim3A_1155 = vector.broadcast %shift_left3A_1154 : i32 to vector<16xi32>
        %add3A_1156 = arith.addi %while3A_1143, %broadcast_in_dim3A_1155 : vector<16xi32>
        %min3A_1157 = arith.minsi %add3A_1156, %sub3A_639 : vector<16xi32>
        %add3A_1158 = arith.addi %min3A_1157, %add3A_732 : vector<16xi32>
        %gather3A_1159 = tpu.vector_load_idx %arg16[%add3A_1158] : memref<8208xf32, #tpu.memory_space<vmem>>[vector<16xi32>], vector<16xf32>,
        %le3A_1160 = arith.cmpi sle, %add3A_1156, %sub3A_639 : vector<16xi32>
        %le3A_1161 = arith.cmpf ole, %gather3A_1159, %convert_element_type3A_750 : vector<16xf32>
        %and3A_1162 = arith.andi %le3A_1160, %le3A_1161 : vector<16xi1>
        %select_n3A_1163 = arith.select %and3A_1162, %add3A_1156, %while3A_1143 : vector<16xi1>, vector<16xi32>
        %add3A_1164 = arith.addi %while3A_1144, %broadcast_in_dim3A_1155 : vector<16xi32>
        %min3A_1165 = arith.minsi %add3A_1164, %sub3A_639 : vector<16xi32>
        %add3A_1166 = arith.addi %min3A_1165, %add3A_732 : vector<16xi32>
        %gather3A_1167 = tpu.vector_load_idx %arg16[%add3A_1166] : memref<8208xf32, #tpu.memory_space<vmem>>[vector<16xi32>], vector<16xf32>,
        %le3A_1168 = arith.cmpi sle, %add3A_1164, %sub3A_639 : vector<16xi32>
        %le3A_1169 = arith.cmpf ole, %gather3A_1167, %convert_element_type3A_763 : vector<16xf32>
        %and3A_1170 = arith.andi %le3A_1168, %le3A_1169 : vector<16xi1>
        %select_n3A_1171 = arith.select %and3A_1170, %add3A_1164, %while3A_1144 : vector<16xi1>, vector<16xi32>
        %add3A_1172 = arith.addi %while3A_1145, %broadcast_in_dim3A_1155 : vector<16xi32>
        %min3A_1173 = arith.minsi %add3A_1172, %sub3A_639 : vector<16xi32>
        %add3A_1174 = arith.addi %min3A_1173, %add3A_732 : vector<16xi32>
        %gather3A_1175 = tpu.vector_load_idx %arg16[%add3A_1174] : memref<8208xf32, #tpu.memory_space<vmem>>[vector<16xi32>], vector<16xf32>,
        %le3A_1176 = arith.cmpi sle, %add3A_1172, %sub3A_639 : vector<16xi32>
        %le3A_1177 = arith.cmpf ole, %gather3A_1175, %convert_element_type3A_776 : vector<16xf32>
        %and3A_1178 = arith.andi %le3A_1176, %le3A_1177 : vector<16xi1>
        %select_n3A_1179 = arith.select %and3A_1178, %add3A_1172, %while3A_1145 : vector<16xi1>, vector<16xi32>
        %add3A_1180 = arith.addi %while3A_1146, %broadcast_in_dim3A_1155 : vector<16xi32>
        %min3A_1181 = arith.minsi %add3A_1180, %sub3A_639 : vector<16xi32>
        %add3A_1182 = arith.addi %min3A_1181, %add3A_732 : vector<16xi32>
        %gather3A_1183 = tpu.vector_load_idx %arg16[%add3A_1182] : memref<8208xf32, #tpu.memory_space<vmem>>[vector<16xi32>], vector<16xf32>,
        %le3A_1184 = arith.cmpi sle, %add3A_1180, %sub3A_639 : vector<16xi32>
        %le3A_1185 = arith.cmpf ole, %gather3A_1183, %convert_element_type3A_789 : vector<16xf32>
        %and3A_1186 = arith.andi %le3A_1184, %le3A_1185 : vector<16xi1>
        %select_n3A_1187 = arith.select %and3A_1186, %add3A_1180, %while3A_1146 : vector<16xi1>, vector<16xi32>
        %add3A_1188 = arith.addi %while3A_1147, %broadcast_in_dim3A_1155 : vector<16xi32>
        %min3A_1189 = arith.minsi %add3A_1188, %sub3A_639 : vector<16xi32>
        %add3A_1190 = arith.addi %min3A_1189, %add3A_732 : vector<16xi32>
        %gather3A_1191 = tpu.vector_load_idx %arg16[%add3A_1190] : memref<8208xf32, #tpu.memory_space<vmem>>[vector<16xi32>], vector<16xf32>,
        %le3A_1192 = arith.cmpi sle, %add3A_1188, %sub3A_639 : vector<16xi32>
        %le3A_1193 = arith.cmpf ole, %gather3A_1191, %convert_element_type3A_802 : vector<16xf32>
        %and3A_1194 = arith.andi %le3A_1192, %le3A_1193 : vector<16xi1>
        %select_n3A_1195 = arith.select %and3A_1194, %add3A_1188, %while3A_1147 : vector<16xi1>, vector<16xi32>
        %add3A_1196 = arith.addi %while3A_1148, %broadcast_in_dim3A_1155 : vector<16xi32>
        %min3A_1197 = arith.minsi %add3A_1196, %sub3A_639 : vector<16xi32>
        %add3A_1198 = arith.addi %min3A_1197, %add3A_732 : vector<16xi32>
        %gather3A_1199 = tpu.vector_load_idx %arg16[%add3A_1198] : memref<8208xf32, #tpu.memory_space<vmem>>[vector<16xi32>], vector<16xf32>,
        %le3A_1200 = arith.cmpi sle, %add3A_1196, %sub3A_639 : vector<16xi32>
        %le3A_1201 = arith.cmpf ole, %gather3A_1199, %convert_element_type3A_815 : vector<16xf32>
        %and3A_1202 = arith.andi %le3A_1200, %le3A_1201 : vector<16xi1>
        %select_n3A_1203 = arith.select %and3A_1202, %add3A_1196, %while3A_1148 : vector<16xi1>, vector<16xi32>
        %add3A_1204 = arith.addi %while3A_1149, %broadcast_in_dim3A_1155 : vector<16xi32>
        %min3A_1205 = arith.minsi %add3A_1204, %sub3A_639 : vector<16xi32>
        %add3A_1206 = arith.addi %min3A_1205, %add3A_732 : vector<16xi32>
        %gather3A_1207 = tpu.vector_load_idx %arg16[%add3A_1206] : memref<8208xf32, #tpu.memory_space<vmem>>[vector<16xi32>], vector<16xf32>,
        %le3A_1208 = arith.cmpi sle, %add3A_1204, %sub3A_639 : vector<16xi32>
        %le3A_1209 = arith.cmpf ole, %gather3A_1207, %convert_element_type3A_828 : vector<16xf32>
        %and3A_1210 = arith.andi %le3A_1208, %le3A_1209 : vector<16xi1>
        %select_n3A_1211 = arith.select %and3A_1210, %add3A_1204, %while3A_1149 : vector<16xi1>, vector<16xi32>
        %add3A_1212 = arith.addi %while3A_1150, %broadcast_in_dim3A_1155 : vector<16xi32>
        %min3A_1213 = arith.minsi %add3A_1212, %sub3A_639 : vector<16xi32>
        %add3A_1214 = arith.addi %min3A_1213, %add3A_732 : vector<16xi32>
        %gather3A_1215 = tpu.vector_load_idx %arg16[%add3A_1214] : memref<8208xf32, #tpu.memory_space<vmem>>[vector<16xi32>], vector<16xf32>,
        %le3A_1216 = arith.cmpi sle, %add3A_1212, %sub3A_639 : vector<16xi32>
        %le3A_1217 = arith.cmpf ole, %gather3A_1215, %convert_element_type3A_841 : vector<16xf32>
        %and3A_1218 = arith.andi %le3A_1216, %le3A_1217 : vector<16xi1>
        %select_n3A_1219 = arith.select %and3A_1218, %add3A_1212, %while3A_1150 : vector<16xi1>, vector<16xi32>
        scf.yield %select_n3A_1163, %select_n3A_1171, %select_n3A_1179, %select_n3A_1187, %select_n3A_1195, %select_n3A_1203, %select_n3A_1211, %select_n3A_1219 : vector<16xi32>, vector<16xi32>, vector<16xi32>, vector<16xi32>, vector<16xi32>, vector<16xi32>, vector<16xi32>, vector<16xi32>
      }
      %add3A_854 = arith.addi %select_n3A_407, %while3A_853#0 : vector<16xi32>
      %add3A_855 = arith.constant 1 : i32
      %add3A_856 = vector.broadcast %add3A_855 : i32 to vector<16xi32>
      %add3A_857 = arith.addi %add3A_854, %add3A_856 : vector<16xi32>
      %max3A_858 = arith.maxsi %add3A_857, %select_n3A_149 : vector<16xi32>
      %min3A_859 = arith.minsi %max3A_858, %add3A_180 : vector<16xi32>
      %broadcast_in_dim3A_860 = arith.constant 6 : i32
      %broadcast_in_dim3A_861 = vector.broadcast %broadcast_in_dim3A_860 : i32 to vector<16xi32>
      %add3A_862 = arith.addi %min3A_859, %broadcast_in_dim3A_861 : vector<16xi32>
      %add3A_863 = arith.addi %select_n3A_407, %while3A_853#1 : vector<16xi32>
      %add3A_864 = arith.constant 1 : i32
      %add3A_865 = vector.broadcast %add3A_864 : i32 to vector<16xi32>
      %add3A_866 = arith.addi %add3A_863, %add3A_865 : vector<16xi32>
      %max3A_867 = arith.maxsi %add3A_866, %select_n3A_149 : vector<16xi32>
      %min3A_868 = arith.minsi %max3A_867, %add3A_180 : vector<16xi32>
      %broadcast_in_dim3A_869 = arith.constant 6 : i32
      %broadcast_in_dim3A_870 = vector.broadcast %broadcast_in_dim3A_869 : i32 to vector<16xi32>
      %add3A_871 = arith.addi %min3A_868, %broadcast_in_dim3A_870 : vector<16xi32>
      %add3A_872 = arith.addi %select_n3A_407, %while3A_853#2 : vector<16xi32>
      %add3A_873 = arith.constant 1 : i32
      %add3A_874 = vector.broadcast %add3A_873 : i32 to vector<16xi32>
      %add3A_875 = arith.addi %add3A_872, %add3A_874 : vector<16xi32>
      %max3A_876 = arith.maxsi %add3A_875, %select_n3A_149 : vector<16xi32>
      %min3A_877 = arith.minsi %max3A_876, %add3A_180 : vector<16xi32>
      %broadcast_in_dim3A_878 = arith.constant 6 : i32
      %broadcast_in_dim3A_879 = vector.broadcast %broadcast_in_dim3A_878 : i32 to vector<16xi32>
      %add3A_880 = arith.addi %min3A_877, %broadcast_in_dim3A_879 : vector<16xi32>
      %add3A_881 = arith.addi %select_n3A_407, %while3A_853#3 : vector<16xi32>
      %add3A_882 = arith.constant 1 : i32
      %add3A_883 = vector.broadcast %add3A_882 : i32 to vector<16xi32>
      %add3A_884 = arith.addi %add3A_881, %add3A_883 : vector<16xi32>
      %max3A_885 = arith.maxsi %add3A_884, %select_n3A_149 : vector<16xi32>
      %min3A_886 = arith.minsi %max3A_885, %add3A_180 : vector<16xi32>
      %broadcast_in_dim3A_887 = arith.constant 6 : i32
      %broadcast_in_dim3A_888 = vector.broadcast %broadcast_in_dim3A_887 : i32 to vector<16xi32>
      %add3A_889 = arith.addi %min3A_886, %broadcast_in_dim3A_888 : vector<16xi32>
      %add3A_890 = arith.addi %select_n3A_407, %while3A_853#4 : vector<16xi32>
      %add3A_891 = arith.constant 1 : i32
      %add3A_892 = vector.broadcast %add3A_891 : i32 to vector<16xi32>
      %add3A_893 = arith.addi %add3A_890, %add3A_892 : vector<16xi32>
      %max3A_894 = arith.maxsi %add3A_893, %select_n3A_149 : vector<16xi32>
      %min3A_895 = arith.minsi %max3A_894, %add3A_180 : vector<16xi32>
      %broadcast_in_dim3A_896 = arith.constant 6 : i32
      %broadcast_in_dim3A_897 = vector.broadcast %broadcast_in_dim3A_896 : i32 to vector<16xi32>
      %add3A_898 = arith.addi %min3A_895, %broadcast_in_dim3A_897 : vector<16xi32>
      %add3A_899 = arith.addi %select_n3A_407, %while3A_853#5 : vector<16xi32>
      %add3A_900 = arith.constant 1 : i32
      %add3A_901 = vector.broadcast %add3A_900 : i32 to vector<16xi32>
      %add3A_902 = arith.addi %add3A_899, %add3A_901 : vector<16xi32>
      %max3A_903 = arith.maxsi %add3A_902, %select_n3A_149 : vector<16xi32>
      %min3A_904 = arith.minsi %max3A_903, %add3A_180 : vector<16xi32>
      %broadcast_in_dim3A_905 = arith.constant 6 : i32
      %broadcast_in_dim3A_906 = vector.broadcast %broadcast_in_dim3A_905 : i32 to vector<16xi32>
      %add3A_907 = arith.addi %min3A_904, %broadcast_in_dim3A_906 : vector<16xi32>
      %add3A_908 = arith.addi %select_n3A_407, %while3A_853#6 : vector<16xi32>
      %add3A_909 = arith.constant 1 : i32
      %add3A_910 = vector.broadcast %add3A_909 : i32 to vector<16xi32>
      %add3A_911 = arith.addi %add3A_908, %add3A_910 : vector<16xi32>
      %max3A_912 = arith.maxsi %add3A_911, %select_n3A_149 : vector<16xi32>
      %min3A_913 = arith.minsi %max3A_912, %add3A_180 : vector<16xi32>
      %broadcast_in_dim3A_914 = arith.constant 6 : i32
      %broadcast_in_dim3A_915 = vector.broadcast %broadcast_in_dim3A_914 : i32 to vector<16xi32>
      %add3A_916 = arith.addi %min3A_913, %broadcast_in_dim3A_915 : vector<16xi32>
      %add3A_917 = arith.addi %select_n3A_407, %while3A_853#7 : vector<16xi32>
      %add3A_918 = arith.constant 1 : i32
      %add3A_919 = vector.broadcast %add3A_918 : i32 to vector<16xi32>
      %add3A_920 = arith.addi %add3A_917, %add3A_919 : vector<16xi32>
      %max3A_921 = arith.maxsi %add3A_920, %select_n3A_149 : vector<16xi32>
      %min3A_922 = arith.minsi %max3A_921, %add3A_180 : vector<16xi32>
      %broadcast_in_dim3A_923 = arith.constant 6 : i32
      %broadcast_in_dim3A_924 = vector.broadcast %broadcast_in_dim3A_923 : i32 to vector<16xi32>
      %add3A_925 = arith.addi %min3A_922, %broadcast_in_dim3A_924 : vector<16xi32>
      %gather3A_926 = tpu.vector_load_idx %arg16[%add3A_862] : memref<8208xf32, #tpu.memory_space<vmem>>[vector<16xi32>], vector<16xf32>,
      %gather3A_927 = tpu.vector_load_idx %arg16[%add3A_871] : memref<8208xf32, #tpu.memory_space<vmem>>[vector<16xi32>], vector<16xf32>,
      %gather3A_928 = tpu.vector_load_idx %arg16[%add3A_880] : memref<8208xf32, #tpu.memory_space<vmem>>[vector<16xi32>], vector<16xf32>,
      %gather3A_929 = tpu.vector_load_idx %arg16[%add3A_889] : memref<8208xf32, #tpu.memory_space<vmem>>[vector<16xi32>], vector<16xf32>,
      %gather3A_930 = tpu.vector_load_idx %arg16[%add3A_898] : memref<8208xf32, #tpu.memory_space<vmem>>[vector<16xi32>], vector<16xf32>,
      %gather3A_931 = tpu.vector_load_idx %arg16[%add3A_907] : memref<8208xf32, #tpu.memory_space<vmem>>[vector<16xi32>], vector<16xf32>,
      %gather3A_932 = tpu.vector_load_idx %arg16[%add3A_916] : memref<8208xf32, #tpu.memory_space<vmem>>[vector<16xi32>], vector<16xf32>,
      %gather3A_933 = tpu.vector_load_idx %arg16[%add3A_925] : memref<8208xf32, #tpu.memory_space<vmem>>[vector<16xi32>], vector<16xf32>,
      %add3A_934 = arith.constant 1 : i32
      %add3A_935 = vector.broadcast %add3A_934 : i32 to vector<16xi32>
      %add3A_936 = arith.addi %add3A_862, %add3A_935 : vector<16xi32>
      %gather3A_937 = tpu.vector_load_idx %arg16[%add3A_936] : memref<8208xf32, #tpu.memory_space<vmem>>[vector<16xi32>], vector<16xf32>,
      %add3A_938 = arith.constant 1 : i32
      %add3A_939 = vector.broadcast %add3A_938 : i32 to vector<16xi32>
      %add3A_940 = arith.addi %add3A_871, %add3A_939 : vector<16xi32>
      %gather3A_941 = tpu.vector_load_idx %arg16[%add3A_940] : memref<8208xf32, #tpu.memory_space<vmem>>[vector<16xi32>], vector<16xf32>,
      %add3A_942 = arith.constant 1 : i32
      %add3A_943 = vector.broadcast %add3A_942 : i32 to vector<16xi32>
      %add3A_944 = arith.addi %add3A_880, %add3A_943 : vector<16xi32>
      %gather3A_945 = tpu.vector_load_idx %arg16[%add3A_944] : memref<8208xf32, #tpu.memory_space<vmem>>[vector<16xi32>], vector<16xf32>,
      %add3A_946 = arith.constant 1 : i32
      %add3A_947 = vector.broadcast %add3A_946 : i32 to vector<16xi32>
      %add3A_948 = arith.addi %add3A_889, %add3A_947 : vector<16xi32>
      %gather3A_949 = tpu.vector_load_idx %arg16[%add3A_948] : memref<8208xf32, #tpu.memory_space<vmem>>[vector<16xi32>], vector<16xf32>,
      %add3A_950 = arith.constant 1 : i32
      %add3A_951 = vector.broadcast %add3A_950 : i32 to vector<16xi32>
      %add3A_952 = arith.addi %add3A_898, %add3A_951 : vector<16xi32>
      %gather3A_953 = tpu.vector_load_idx %arg16[%add3A_952] : memref<8208xf32, #tpu.memory_space<vmem>>[vector<16xi32>], vector<16xf32>,
      %add3A_954 = arith.constant 1 : i32
      %add3A_955 = vector.broadcast %add3A_954 : i32 to vector<16xi32>
      %add3A_956 = arith.addi %add3A_907, %add3A_955 : vector<16xi32>
      %gather3A_957 = tpu.vector_load_idx %arg16[%add3A_956] : memref<8208xf32, #tpu.memory_space<vmem>>[vector<16xi32>], vector<16xf32>,
      %add3A_958 = arith.constant 1 : i32
      %add3A_959 = vector.broadcast %add3A_958 : i32 to vector<16xi32>
      %add3A_960 = arith.addi %add3A_916, %add3A_959 : vector<16xi32>
      %gather3A_961 = tpu.vector_load_idx %arg16[%add3A_960] : memref<8208xf32, #tpu.memory_space<vmem>>[vector<16xi32>], vector<16xf32>,
      %add3A_962 = arith.constant 1 : i32
      %add3A_963 = vector.broadcast %add3A_962 : i32 to vector<16xi32>
      %add3A_964 = arith.addi %add3A_925, %add3A_963 : vector<16xi32>
      %gather3A_965 = tpu.vector_load_idx %arg16[%add3A_964] : memref<8208xf32, #tpu.memory_space<vmem>>[vector<16xi32>], vector<16xf32>,
      %gather3A_966 = tpu.vector_load_idx %arg17[%add3A_862] : memref<8208xf32, #tpu.memory_space<vmem>>[vector<16xi32>], vector<16xf32>,
      %gather3A_967 = tpu.vector_load_idx %arg17[%add3A_871] : memref<8208xf32, #tpu.memory_space<vmem>>[vector<16xi32>], vector<16xf32>,
      %gather3A_968 = tpu.vector_load_idx %arg17[%add3A_880] : memref<8208xf32, #tpu.memory_space<vmem>>[vector<16xi32>], vector<16xf32>,
      %gather3A_969 = tpu.vector_load_idx %arg17[%add3A_889] : memref<8208xf32, #tpu.memory_space<vmem>>[vector<16xi32>], vector<16xf32>,
      %gather3A_970 = tpu.vector_load_idx %arg17[%add3A_898] : memref<8208xf32, #tpu.memory_space<vmem>>[vector<16xi32>], vector<16xf32>,
      %gather3A_971 = tpu.vector_load_idx %arg17[%add3A_907] : memref<8208xf32, #tpu.memory_space<vmem>>[vector<16xi32>], vector<16xf32>,
      %gather3A_972 = tpu.vector_load_idx %arg17[%add3A_916] : memref<8208xf32, #tpu.memory_space<vmem>>[vector<16xi32>], vector<16xf32>,
      %gather3A_973 = tpu.vector_load_idx %arg17[%add3A_925] : memref<8208xf32, #tpu.memory_space<vmem>>[vector<16xi32>], vector<16xf32>,
      %add3A_974 = arith.constant 1 : i32
      %add3A_975 = vector.broadcast %add3A_974 : i32 to vector<16xi32>
      %add3A_976 = arith.addi %add3A_862, %add3A_975 : vector<16xi32>
      %gather3A_977 = tpu.vector_load_idx %arg17[%add3A_976] : memref<8208xf32, #tpu.memory_space<vmem>>[vector<16xi32>], vector<16xf32>,
      %add3A_978 = arith.constant 1 : i32
      %add3A_979 = vector.broadcast %add3A_978 : i32 to vector<16xi32>
      %add3A_980 = arith.addi %add3A_871, %add3A_979 : vector<16xi32>
      %gather3A_981 = tpu.vector_load_idx %arg17[%add3A_980] : memref<8208xf32, #tpu.memory_space<vmem>>[vector<16xi32>], vector<16xf32>,
      %add3A_982 = arith.constant 1 : i32
      %add3A_983 = vector.broadcast %add3A_982 : i32 to vector<16xi32>
      %add3A_984 = arith.addi %add3A_880, %add3A_983 : vector<16xi32>
      %gather3A_985 = tpu.vector_load_idx %arg17[%add3A_984] : memref<8208xf32, #tpu.memory_space<vmem>>[vector<16xi32>], vector<16xf32>,
      %add3A_986 = arith.constant 1 : i32
      %add3A_987 = vector.broadcast %add3A_986 : i32 to vector<16xi32>
      %add3A_988 = arith.addi %add3A_889, %add3A_987 : vector<16xi32>
      %gather3A_989 = tpu.vector_load_idx %arg17[%add3A_988] : memref<8208xf32, #tpu.memory_space<vmem>>[vector<16xi32>], vector<16xf32>,
      %add3A_990 = arith.constant 1 : i32
      %add3A_991 = vector.broadcast %add3A_990 : i32 to vector<16xi32>
      %add3A_992 = arith.addi %add3A_898, %add3A_991 : vector<16xi32>
      %gather3A_993 = tpu.vector_load_idx %arg17[%add3A_992] : memref<8208xf32, #tpu.memory_space<vmem>>[vector<16xi32>], vector<16xf32>,
      %add3A_994 = arith.constant 1 : i32
      %add3A_995 = vector.broadcast %add3A_994 : i32 to vector<16xi32>
      %add3A_996 = arith.addi %add3A_907, %add3A_995 : vector<16xi32>
      %gather3A_997 = tpu.vector_load_idx %arg17[%add3A_996] : memref<8208xf32, #tpu.memory_space<vmem>>[vector<16xi32>], vector<16xf32>,
      %add3A_998 = arith.constant 1 : i32
      %add3A_999 = vector.broadcast %add3A_998 : i32 to vector<16xi32>
      %add3A_1000 = arith.addi %add3A_916, %add3A_999 : vector<16xi32>
      %gather3A_1001 = tpu.vector_load_idx %arg17[%add3A_1000] : memref<8208xf32, #tpu.memory_space<vmem>>[vector<16xi32>], vector<16xf32>,
      %add3A_1002 = arith.constant 1 : i32
      %add3A_1003 = vector.broadcast %add3A_1002 : i32 to vector<16xi32>
      %add3A_1004 = arith.addi %add3A_925, %add3A_1003 : vector<16xi32>
      %gather3A_1005 = tpu.vector_load_idx %arg17[%add3A_1004] : memref<8208xf32, #tpu.memory_space<vmem>>[vector<16xi32>], vector<16xf32>,
      %sub3A_1006 = arith.subf %gather3A_937, %gather3A_926 : vector<16xf32>
      %broadcast_in_dim3A_1007 = arith.constant 0.000000e+00 : f32
      %broadcast_in_dim3A_1008 = vector.broadcast %broadcast_in_dim3A_1007 : f32 to vector<16xf32>
      %gt3A_1009 = arith.cmpf ogt, %sub3A_1006, %broadcast_in_dim3A_1008 : vector<16xf32>
      %sub3A_1010 = arith.subf %convert_element_type3A_750, %gather3A_926 : vector<16xf32>
      %broadcast_in_dim3A_1011 = arith.constant 1.000000e+00 : f32
      %broadcast_in_dim3A_1012 = vector.broadcast %broadcast_in_dim3A_1011 : f32 to vector<16xf32>
      %select_n3A_1013 = arith.select %gt3A_1009, %sub3A_1006, %broadcast_in_dim3A_1012 : vector<16xi1>, vector<16xf32>
      %div3A_1014 = arith.divf %sub3A_1010, %select_n3A_1013 : vector<16xf32>
      %broadcast_in_dim3A_1015 = arith.constant 0.000000e+00 : f32
      %broadcast_in_dim3A_1016 = vector.broadcast %broadcast_in_dim3A_1015 : f32 to vector<16xf32>
      %select_n3A_1017 = arith.select %gt3A_1009, %div3A_1014, %broadcast_in_dim3A_1016 : vector<16xi1>, vector<16xf32>
      %mul3A_1018 = arith.mulf %get3A_171, %gather3A_977 : vector<16xf32>
      %mul3A_1019 = arith.mulf %get3A_173, %gather3A_966 : vector<16xf32>
      %add3A_1020 = arith.addf %mul3A_1018, %mul3A_1019 : vector<16xf32>
      %mul3A_1021 = arith.mulf %get3A_175, %select_n3A_1017 : vector<16xf32>
      %add3A_1022 = arith.addf %add3A_1020, %mul3A_1021 : vector<16xf32>
      tpu.vector_store_idx %arg18[%add3A_747], %add3A_1022 : memref<2048xf32, #tpu.memory_space<vmem>>[vector<16xi32>], vector<16xf32>,
      %sub3A_1023 = arith.subf %gather3A_941, %gather3A_927 : vector<16xf32>
      %broadcast_in_dim3A_1024 = arith.constant 0.000000e+00 : f32
      %broadcast_in_dim3A_1025 = vector.broadcast %broadcast_in_dim3A_1024 : f32 to vector<16xf32>
      %gt3A_1026 = arith.cmpf ogt, %sub3A_1023, %broadcast_in_dim3A_1025 : vector<16xf32>
      %sub3A_1027 = arith.subf %convert_element_type3A_763, %gather3A_927 : vector<16xf32>
      %broadcast_in_dim3A_1028 = arith.constant 1.000000e+00 : f32
      %broadcast_in_dim3A_1029 = vector.broadcast %broadcast_in_dim3A_1028 : f32 to vector<16xf32>
      %select_n3A_1030 = arith.select %gt3A_1026, %sub3A_1023, %broadcast_in_dim3A_1029 : vector<16xi1>, vector<16xf32>
      %div3A_1031 = arith.divf %sub3A_1027, %select_n3A_1030 : vector<16xf32>
      %broadcast_in_dim3A_1032 = arith.constant 0.000000e+00 : f32
      %broadcast_in_dim3A_1033 = vector.broadcast %broadcast_in_dim3A_1032 : f32 to vector<16xf32>
      %select_n3A_1034 = arith.select %gt3A_1026, %div3A_1031, %broadcast_in_dim3A_1033 : vector<16xi1>, vector<16xf32>
      %mul3A_1035 = arith.mulf %get3A_171, %gather3A_981 : vector<16xf32>
      %mul3A_1036 = arith.mulf %get3A_173, %gather3A_967 : vector<16xf32>
      %add3A_1037 = arith.addf %mul3A_1035, %mul3A_1036 : vector<16xf32>
      %mul3A_1038 = arith.mulf %get3A_175, %select_n3A_1034 : vector<16xf32>
      %add3A_1039 = arith.addf %add3A_1037, %mul3A_1038 : vector<16xf32>
      tpu.vector_store_idx %arg18[%add3A_760], %add3A_1039 : memref<2048xf32, #tpu.memory_space<vmem>>[vector<16xi32>], vector<16xf32>,
      %sub3A_1040 = arith.subf %gather3A_945, %gather3A_928 : vector<16xf32>
      %broadcast_in_dim3A_1041 = arith.constant 0.000000e+00 : f32
      %broadcast_in_dim3A_1042 = vector.broadcast %broadcast_in_dim3A_1041 : f32 to vector<16xf32>
      %gt3A_1043 = arith.cmpf ogt, %sub3A_1040, %broadcast_in_dim3A_1042 : vector<16xf32>
      %sub3A_1044 = arith.subf %convert_element_type3A_776, %gather3A_928 : vector<16xf32>
      %broadcast_in_dim3A_1045 = arith.constant 1.000000e+00 : f32
      %broadcast_in_dim3A_1046 = vector.broadcast %broadcast_in_dim3A_1045 : f32 to vector<16xf32>
      %select_n3A_1047 = arith.select %gt3A_1043, %sub3A_1040, %broadcast_in_dim3A_1046 : vector<16xi1>, vector<16xf32>
      %div3A_1048 = arith.divf %sub3A_1044, %select_n3A_1047 : vector<16xf32>
      %broadcast_in_dim3A_1049 = arith.constant 0.000000e+00 : f32
      %broadcast_in_dim3A_1050 = vector.broadcast %broadcast_in_dim3A_1049 : f32 to vector<16xf32>
      %select_n3A_1051 = arith.select %gt3A_1043, %div3A_1048, %broadcast_in_dim3A_1050 : vector<16xi1>, vector<16xf32>
      %mul3A_1052 = arith.mulf %get3A_171, %gather3A_985 : vector<16xf32>
      %mul3A_1053 = arith.mulf %get3A_173, %gather3A_968 : vector<16xf32>
      %add3A_1054 = arith.addf %mul3A_1052, %mul3A_1053 : vector<16xf32>
      %mul3A_1055 = arith.mulf %get3A_175, %select_n3A_1051 : vector<16xf32>
      %add3A_1056 = arith.addf %add3A_1054, %mul3A_1055 : vector<16xf32>
      tpu.vector_store_idx %arg18[%add3A_773], %add3A_1056 : memref<2048xf32, #tpu.memory_space<vmem>>[vector<16xi32>], vector<16xf32>,
      %sub3A_1057 = arith.subf %gather3A_949, %gather3A_929 : vector<16xf32>
      %broadcast_in_dim3A_1058 = arith.constant 0.000000e+00 : f32
      %broadcast_in_dim3A_1059 = vector.broadcast %broadcast_in_dim3A_1058 : f32 to vector<16xf32>
      %gt3A_1060 = arith.cmpf ogt, %sub3A_1057, %broadcast_in_dim3A_1059 : vector<16xf32>
      %sub3A_1061 = arith.subf %convert_element_type3A_789, %gather3A_929 : vector<16xf32>
      %broadcast_in_dim3A_1062 = arith.constant 1.000000e+00 : f32
      %broadcast_in_dim3A_1063 = vector.broadcast %broadcast_in_dim3A_1062 : f32 to vector<16xf32>
      %select_n3A_1064 = arith.select %gt3A_1060, %sub3A_1057, %broadcast_in_dim3A_1063 : vector<16xi1>, vector<16xf32>
      %div3A_1065 = arith.divf %sub3A_1061, %select_n3A_1064 : vector<16xf32>
      %broadcast_in_dim3A_1066 = arith.constant 0.000000e+00 : f32
      %broadcast_in_dim3A_1067 = vector.broadcast %broadcast_in_dim3A_1066 : f32 to vector<16xf32>
      %select_n3A_1068 = arith.select %gt3A_1060, %div3A_1065, %broadcast_in_dim3A_1067 : vector<16xi1>, vector<16xf32>
      %mul3A_1069 = arith.mulf %get3A_171, %gather3A_989 : vector<16xf32>
      %mul3A_1070 = arith.mulf %get3A_173, %gather3A_969 : vector<16xf32>
      %add3A_1071 = arith.addf %mul3A_1069, %mul3A_1070 : vector<16xf32>
      %mul3A_1072 = arith.mulf %get3A_175, %select_n3A_1068 : vector<16xf32>
      %add3A_1073 = arith.addf %add3A_1071, %mul3A_1072 : vector<16xf32>
      tpu.vector_store_idx %arg18[%add3A_786], %add3A_1073 : memref<2048xf32, #tpu.memory_space<vmem>>[vector<16xi32>], vector<16xf32>,
      %sub3A_1074 = arith.subf %gather3A_953, %gather3A_930 : vector<16xf32>
      %broadcast_in_dim3A_1075 = arith.constant 0.000000e+00 : f32
      %broadcast_in_dim3A_1076 = vector.broadcast %broadcast_in_dim3A_1075 : f32 to vector<16xf32>
      %gt3A_1077 = arith.cmpf ogt, %sub3A_1074, %broadcast_in_dim3A_1076 : vector<16xf32>
      %sub3A_1078 = arith.subf %convert_element_type3A_802, %gather3A_930 : vector<16xf32>
      %broadcast_in_dim3A_1079 = arith.constant 1.000000e+00 : f32
      %broadcast_in_dim3A_1080 = vector.broadcast %broadcast_in_dim3A_1079 : f32 to vector<16xf32>
      %select_n3A_1081 = arith.select %gt3A_1077, %sub3A_1074, %broadcast_in_dim3A_1080 : vector<16xi1>, vector<16xf32>
      %div3A_1082 = arith.divf %sub3A_1078, %select_n3A_1081 : vector<16xf32>
      %broadcast_in_dim3A_1083 = arith.constant 0.000000e+00 : f32
      %broadcast_in_dim3A_1084 = vector.broadcast %broadcast_in_dim3A_1083 : f32 to vector<16xf32>
      %select_n3A_1085 = arith.select %gt3A_1077, %div3A_1082, %broadcast_in_dim3A_1084 : vector<16xi1>, vector<16xf32>
      %mul3A_1086 = arith.mulf %get3A_171, %gather3A_993 : vector<16xf32>
      %mul3A_1087 = arith.mulf %get3A_173, %gather3A_970 : vector<16xf32>
      %add3A_1088 = arith.addf %mul3A_1086, %mul3A_1087 : vector<16xf32>
      %mul3A_1089 = arith.mulf %get3A_175, %select_n3A_1085 : vector<16xf32>
      %add3A_1090 = arith.addf %add3A_1088, %mul3A_1089 : vector<16xf32>
      tpu.vector_store_idx %arg18[%add3A_799], %add3A_1090 : memref<2048xf32, #tpu.memory_space<vmem>>[vector<16xi32>], vector<16xf32>,
      %sub3A_1091 = arith.subf %gather3A_957, %gather3A_931 : vector<16xf32>
      %broadcast_in_dim3A_1092 = arith.constant 0.000000e+00 : f32
      %broadcast_in_dim3A_1093 = vector.broadcast %broadcast_in_dim3A_1092 : f32 to vector<16xf32>
      %gt3A_1094 = arith.cmpf ogt, %sub3A_1091, %broadcast_in_dim3A_1093 : vector<16xf32>
      %sub3A_1095 = arith.subf %convert_element_type3A_815, %gather3A_931 : vector<16xf32>
      %broadcast_in_dim3A_1096 = arith.constant 1.000000e+00 : f32
      %broadcast_in_dim3A_1097 = vector.broadcast %broadcast_in_dim3A_1096 : f32 to vector<16xf32>
      %select_n3A_1098 = arith.select %gt3A_1094, %sub3A_1091, %broadcast_in_dim3A_1097 : vector<16xi1>, vector<16xf32>
      %div3A_1099 = arith.divf %sub3A_1095, %select_n3A_1098 : vector<16xf32>
      %broadcast_in_dim3A_1100 = arith.constant 0.000000e+00 : f32
      %broadcast_in_dim3A_1101 = vector.broadcast %broadcast_in_dim3A_1100 : f32 to vector<16xf32>
      %select_n3A_1102 = arith.select %gt3A_1094, %div3A_1099, %broadcast_in_dim3A_1101 : vector<16xi1>, vector<16xf32>
      %mul3A_1103 = arith.mulf %get3A_171, %gather3A_997 : vector<16xf32>
      %mul3A_1104 = arith.mulf %get3A_173, %gather3A_971 : vector<16xf32>
      %add3A_1105 = arith.addf %mul3A_1103, %mul3A_1104 : vector<16xf32>
      %mul3A_1106 = arith.mulf %get3A_175, %select_n3A_1102 : vector<16xf32>
      %add3A_1107 = arith.addf %add3A_1105, %mul3A_1106 : vector<16xf32>
      tpu.vector_store_idx %arg18[%add3A_812], %add3A_1107 : memref<2048xf32, #tpu.memory_space<vmem>>[vector<16xi32>], vector<16xf32>,
      %sub3A_1108 = arith.subf %gather3A_961, %gather3A_932 : vector<16xf32>
      %broadcast_in_dim3A_1109 = arith.constant 0.000000e+00 : f32
      %broadcast_in_dim3A_1110 = vector.broadcast %broadcast_in_dim3A_1109 : f32 to vector<16xf32>
      %gt3A_1111 = arith.cmpf ogt, %sub3A_1108, %broadcast_in_dim3A_1110 : vector<16xf32>
      %sub3A_1112 = arith.subf %convert_element_type3A_828, %gather3A_932 : vector<16xf32>
      %broadcast_in_dim3A_1113 = arith.constant 1.000000e+00 : f32
      %broadcast_in_dim3A_1114 = vector.broadcast %broadcast_in_dim3A_1113 : f32 to vector<16xf32>
      %select_n3A_1115 = arith.select %gt3A_1111, %sub3A_1108, %broadcast_in_dim3A_1114 : vector<16xi1>, vector<16xf32>
      %div3A_1116 = arith.divf %sub3A_1112, %select_n3A_1115 : vector<16xf32>
      %broadcast_in_dim3A_1117 = arith.constant 0.000000e+00 : f32
      %broadcast_in_dim3A_1118 = vector.broadcast %broadcast_in_dim3A_1117 : f32 to vector<16xf32>
      %select_n3A_1119 = arith.select %gt3A_1111, %div3A_1116, %broadcast_in_dim3A_1118 : vector<16xi1>, vector<16xf32>
      %mul3A_1120 = arith.mulf %get3A_171, %gather3A_1001 : vector<16xf32>
      %mul3A_1121 = arith.mulf %get3A_173, %gather3A_972 : vector<16xf32>
      %add3A_1122 = arith.addf %mul3A_1120, %mul3A_1121 : vector<16xf32>
      %mul3A_1123 = arith.mulf %get3A_175, %select_n3A_1119 : vector<16xf32>
      %add3A_1124 = arith.addf %add3A_1122, %mul3A_1123 : vector<16xf32>
      tpu.vector_store_idx %arg18[%add3A_825], %add3A_1124 : memref<2048xf32, #tpu.memory_space<vmem>>[vector<16xi32>], vector<16xf32>,
      %sub3A_1125 = arith.subf %gather3A_965, %gather3A_933 : vector<16xf32>
      %broadcast_in_dim3A_1126 = arith.constant 0.000000e+00 : f32
      %broadcast_in_dim3A_1127 = vector.broadcast %broadcast_in_dim3A_1126 : f32 to vector<16xf32>
      %gt3A_1128 = arith.cmpf ogt, %sub3A_1125, %broadcast_in_dim3A_1127 : vector<16xf32>
      %sub3A_1129 = arith.subf %convert_element_type3A_841, %gather3A_933 : vector<16xf32>
      %broadcast_in_dim3A_1130 = arith.constant 1.000000e+00 : f32
      %broadcast_in_dim3A_1131 = vector.broadcast %broadcast_in_dim3A_1130 : f32 to vector<16xf32>
      %select_n3A_1132 = arith.select %gt3A_1128, %sub3A_1125, %broadcast_in_dim3A_1131 : vector<16xi1>, vector<16xf32>
      %div3A_1133 = arith.divf %sub3A_1129, %select_n3A_1132 : vector<16xf32>
      %broadcast_in_dim3A_1134 = arith.constant 0.000000e+00 : f32
      %broadcast_in_dim3A_1135 = vector.broadcast %broadcast_in_dim3A_1134 : f32 to vector<16xf32>
      %select_n3A_1136 = arith.select %gt3A_1128, %div3A_1133, %broadcast_in_dim3A_1135 : vector<16xi1>, vector<16xf32>
      %mul3A_1137 = arith.mulf %get3A_171, %gather3A_1005 : vector<16xf32>
      %mul3A_1138 = arith.mulf %get3A_173, %gather3A_973 : vector<16xf32>
      %add3A_1139 = arith.addf %mul3A_1137, %mul3A_1138 : vector<16xf32>
      %mul3A_1140 = arith.mulf %get3A_175, %select_n3A_1136 : vector<16xf32>
      %add3A_1141 = arith.addf %add3A_1139, %mul3A_1140 : vector<16xf32>
      tpu.vector_store_idx %arg18[%add3A_838], %add3A_1141 : memref<2048xf32, #tpu.memory_space<vmem>>[vector<16xi32>], vector<16xf32>,
    }
    %scan3A_738 = arith.constant 16 : i32
    "tpu.region"() ({
      %run_scoped3A = tpu.sem_alloc : memref<!tpu.dma_semaphore, #tpu.memory_space<semaphore_mem>>
      %dma_start3A_739 = tpu.memref_slice %arg7[%mul3A_177] : memref<65536xf32, #tpu.memory_space<hbm>> -> memref<2048xf32, #tpu.memory_space<hbm>>
      %dma_start3A_740 = tpu.memref_slice %arg7[%mul3A_177] : memref<65536xf32, #tpu.memory_space<hbm>> -> memref<2048xf32, #tpu.memory_space<hbm>>
      tpu.enqueue_dma source(%arg18 : memref<2048xf32, #tpu.memory_space<vmem>>) target(%dma_start3A_740 : memref<2048xf32, #tpu.memory_space<hbm>>) target_semaphore(%run_scoped3A : memref<!tpu.dma_semaphore, #tpu.memory_space<semaphore_mem>>)
      %dma_wait3A_741 = tpu.memref_slice %arg7[%mul3A_177] : memref<65536xf32, #tpu.memory_space<hbm>> -> memref<2048xf32, #tpu.memory_space<hbm>>
      %dma_wait3A_742 = tpu.memref_slice %arg7[%mul3A_177] : memref<65536xf32, #tpu.memory_space<hbm>> -> memref<2048xf32, #tpu.memory_space<hbm>>
      tpu.wait_dma2 semaphore(%run_scoped3A : memref<!tpu.dma_semaphore, #tpu.memory_space<semaphore_mem>>) src(%arg18 : memref<2048xf32, #tpu.memory_space<vmem>>) dst(%dma_wait3A_742 : memref<2048xf32, #tpu.memory_space<hbm>>)
      tpu.yield
    }) : () -> ()
    return
  }
}

</mosaic_0001>

<sc_bundles>
// kernel: kernel.3.cloned.1.call-start
scs
__scs_entry_jumppad:
0x0: {  	(pc) =	sbr.rel $0x88, $3  }
0x1: {  	(tag) =	ssettag $0x0;
	lr =	simm.s32 $0x1  }
0x2: {  	[smem:$0x3F9A] =	sst lr;
	_ =	strace $0xD0000000  }
0x3: {  	_ = 	snop  }
0x4: {  	_ = 	snop  }
0x5: {  	_ = 	snop  }
0x6: {  	_ = 	snop  }
0x7: {  	_ = 	snop  }
__scs_overlays_trampoline_lowered:
0x8: {  	[smem:$0x3FA9] =	sst s0  }
0x9: {  	[smem:$0x3FAA] =	sst s1  }
0xa: {  	[smem:$0x3FAB] =	sst s2  }
0xb: {  	[smem:$0x3FAC] =	sst s3  }
0xc: {  	[smem:$0x3FAD] =	sst s4  }
0xd: {  	[smem:$0x3FAE] =	sst s5  }
0xe: {  	[smem:$0x3FAF] =	sst s6  }
0xf: {  	[smem:$0x3FB0] =	sst s7  }
0x10: {  	[smem:$0x3FB1] =	sst s8  }
0x11: {  	[smem:$0x3FB2] =	sst s9;
	s0 =	simm.s32 @!p0 $0x0  }
0x12: {  	s1 =	sld [smem:$0x3F98];
	s0 =	simm.s32 @p0 $0x1  }
0x13: {  	[smem:$0x3FB3] =	sst s0;
	s0 =	simm.s32 @!p1 $0x0  }
0x14: {  	s2 =	sld [smem:$0x3F97];
	s0 =	simm.s32 @p1 $0x1  }
0x15: {  	[smem:$0x3FB4] =	sst s0;
	s0 =	simm.s32 @!p2 $0x0  }
0x16: {  	s3 =	sld [smem:$0x3FDB];
	s0 =	simm.s32 @p2 $0x1  }
0x17: {  	s4 =	simm.s32 $0x1BF5;
	[smem:$0x3FB6] =	sst s0  }
0x18: {  	s0 =	sld [smem:$0x3F99];
	_ =	swait.ge [sflag:s4], $0x0  }
0x19: {  	s7 =	sld [smem:$0x3F9A]  }
0x1a: {  	s8 =	sadd.s32 $0xFFFFE003, lr  }
0x1b: {  	s9 =	sadd.s32 $0xFFFFFEF7, lr;
	s5 =	simm.s32 $0xFFFFFFFF;
	p2 =	slt.u32 s8, $0xFFFFF086  }
0x1c: {  	p1 =	slt.u32 s9, $0xF7A;
	s5 =	simm.s32 @!p2 $0x0  }
0x1d: {  	s5 =	simm.s32 @p1 $0x1;
	p0 =	seq.s32 s7, s2  }
0x1e: {  	s7 =	smul.u32 @!p0 $0xF7A, s2;
	p2 =	seq.s32 @!p0 s5, $0x0  }
0x1f: {  	s9 =	smul.u32 $0xF7A, s1;
	s8 =	simm.s32 @!p0 $0x1BF5;
	p2 =	por !p2, p0  }
0x20: {  	[sflag:s8] =	ssyncset.s32 @!p0 $0xFFFFF086;
	s6 =	sadd.s32 @!p0 s3, s7;
	s7 =	simm.s32 @!p0 $0x108  }
0x21: {  	s3 =	sadd.s32 s3, s9;
	s6 =	sadd.s32 @!p0 $0x88, s6;
	s7 =	simm.s32 @p2 $0x1082  }
0x22: {  	[simem:s7], [sflag:s8] =	dma.local @!p0 [hbm:s6], $0xF7A  }
0x23: {  	s9 =	sor.u32 $0xD0000000, s2;
	s6 =	simm.s32 $0x108;
	_ =	swait.ge @!p0 [sflag:s8], $0x0  }
0x24: {  	s3 =	sadd.s32 $0x88, s3;
	s6 =	simm.s32 @!p1 $0x1082;
	[sflag:s4] =	ssyncset.s32 $0xFFFFF086  }
0x25: {  	[simem:s6], [sflag:s4] =	dma.local [hbm:s3], $0xF7A  }
0x26: {  	[smem:$0x3F9A] =	sst s1;
	(tag) =	ssettag s2;
	_ =	strace s9  }
0x27: {  	s1 =	sld [smem:$0x3FAA]  }
0x28: {  	s2 =	sld [smem:$0x3FAB]  }
0x29: {  	s4 =	sld [smem:$0x3FAD]  }
0x2a: {  	p0 =	seq.s32 s5, $0x0;
	s5 =	sld [smem:$0x3FAE]  }
0x2b: {  	s6 =	sld [smem:$0x3FAF]  }
0x2c: {  	s7 =	sld [smem:$0x3FB0]  }
0x2d: {  	s3 =	simm.s32 $0x108;
	s8 =	sld [smem:$0x3FB1]  }
0x2e: {  	s3 =	simm.s32 @!p0 $0x1082;
	s9 =	sld [smem:$0x3FB2]  }
0x2f: {  	lr =	sadd.s32 s0, s3;
	s0 =	sld [smem:$0x3FA9]  }
0x30: {  	s3 =	sld [smem:$0x3FAC]  }
0x31: {  	[smem:$0x3FB5] =	sst s10  }
0x32: {  	s10 =	sld [smem:$0x3FB3];
	_ =	sdelay $0x3  }
0x33: {  	p0 =	seq.s32 s10, $0x1;
	s10 =	sld [smem:$0x3FB5];
	_ =	sdelay $0x3  }
0x34: {  	[smem:$0x3FB5] =	sst s10  }
0x35: {  	s10 =	sld [smem:$0x3FB4];
	_ =	sdelay $0x3  }
0x36: {  	p1 =	seq.s32 s10, $0x1;
	s10 =	sld [smem:$0x3FB5];
	_ =	sdelay $0x3  }
0x37: {  	[smem:$0x3FB5] =	sst s10  }
0x38: {  	s10 =	sld [smem:$0x3FB6]  }
0x39: {  	_ = 	snop;
	(pc) =	sbr.ind lr, $3  }
0x3a: {  	_ = 	snop  }
0x3b: {  	_ = 	snop  }
0x3c: {  	p2 =	seq.s32 s10, $0x1;
	s10 =	sld [smem:$0x3FB5]  }
0x3d: {  	_ =	shalt  }
0x3e: {  	_ =	shalt  }
0x3f: {  	_ =	shalt  }
0x40: {  	_ =	shalt  }
0x41: {  	_ =	shalt  }
0x42: {  	_ =	shalt  }
0x43: {  	_ =	shalt  }
0x44: {  	_ =	shalt  }
0x45: {  	_ =	shalt  }
0x46: {  	_ =	shalt  }
0x47: {  	_ =	shalt  }
0x48: {  	_ =	shalt  }
0x49: {  	_ =	shalt  }
0x4a: {  	_ =	shalt  }
0x4b: {  	_ =	shalt  }
0x4c: {  	_ =	shalt  }
0x4d: {  	_ =	shalt  }
0x4e: {  	_ =	shalt  }
0x4f: {  	_ =	shalt  }
0x50: {  	_ =	shalt  }
0x51: {  	_ =	shalt  }
0x52: {  	_ =	shalt  }
0x53: {  	_ =	shalt  }
0x54: {  	_ =	shalt  }
0x55: {  	_ =	shalt  }
0x56: {  	_ =	shalt  }
0x57: {  	_ =	shalt  }
0x58: {  	_ =	shalt  }
0x59: {  	_ =	shalt  }
0x5a: {  	_ =	shalt  }
0x5b: {  	_ =	shalt  }
0x5c: {  	_ =	shalt  }
0x5d: {  	_ =	shalt  }
0x5e: {  	_ =	shalt  }
0x5f: {  	_ =	shalt  }
0x60: {  	_ =	shalt  }
0x61: {  	_ =	shalt  }
0x62: {  	_ =	shalt  }
0x63: {  	_ =	shalt  }
0x64: {  	_ =	shalt  }
0x65: {  	_ =	shalt  }
0x66: {  	_ =	shalt  }
0x67: {  	_ =	shalt  }
0x68: {  	_ =	shalt  }
0x69: {  	_ =	shalt  }
0x6a: {  	_ =	shalt  }
0x6b: {  	_ =	shalt  }
0x6c: {  	_ =	shalt  }
0x6d: {  	_ =	shalt  }
0x6e: {  	_ =	shalt  }
0x6f: {  	_ =	shalt  }
0x70: {  	_ =	shalt  }
0x71: {  	_ =	shalt  }
0x72: {  	_ =	shalt  }
0x73: {  	_ =	shalt  }
0x74: {  	_ =	shalt  }
0x75: {  	_ =	shalt  }
0x76: {  	_ =	shalt  }
0x77: {  	_ =	shalt  }
0x78: {  	_ =	shalt  }
0x79: {  	_ =	shalt  }
0x7a: {  	_ =	shalt  }
0x7b: {  	_ =	shalt  }
0x7c: {  	_ =	shalt  }
0x7d: {  	_ =	shalt  }
0x7e: {  	_ =	shalt  }
0x7f: {  	_ =	shalt  }
0x80: {  	_ =	shalt  }
0x81: {  	_ =	shalt  }
0x82: {  	_ =	shalt  }
0x83: {  	_ =	shalt  }
0x84: {  	_ =	shalt  }
0x85: {  	_ =	shalt  }
0x86: {  	_ =	shalt  }
0x87: {  	_ =	shalt  }
.Lfunc_end0:
.L_simem_size_0:
called_computation_lowered:
.L_overlay_start_0:
0x88: {  	s2 =	sld [smem:$0x3FD9]  }
0x89: {  	s3 =	sld [smem:$0x3FFE];
	_ =	sdelay $0x1  }
0x8a: {  	s1 =	srdreg.scid  }
0x8b: {  	s0 =	sand.u32 $0x1, s1  }
0x8c: {  	s17 =	sshll.u32 s0, $0xA;
	s2 =	sadd.s32 s3, s2  }
0x8d: {  	s2 =	sadd.s32 s2, s17  }
0x8e: {  	[smem:$0x3FC1] =	sst s2  }
0x8f: {  	_ = 	snop  }
0x90: {  	s2 =	sld [smem:$0x3FC9]  }
0x91: {  	s18 =	sld [smem:$0x3FC8]  }
0x92: {  	s4 =	sld [smem:$0x3FC7]  }
0x93: {  	s5 =	sld [smem:$0x3FC6]  }
0x94: {  	s6 =	sld [smem:$0x3FD0];
	(tm) =	ssettm $0x1  }
0x95: {  	s7 =	sld [smem:$0x3FFB];
	_ =	sdelay $0x3  }
0x96: {  	_ =	strace s7  }
0x97: {  	s7 =	sld [smem:$0x3FFC];
	_ =	sdelay $0x3  }
0x98: {  	_ =	strace s7  }
0x99: {  	s7 =	sld [smem:$0x3FFD];
	_ =	sdelay $0x3  }
0x9a: {  	_ =	strace s7  }
0x9b: {  	_ =	strace $0x8FFFFFFF  }
0x9c: {  	s19 =	sld [smem:$0x3FDB];
	_ =	sdelay $0x1  }
0x9d: {  	s8 =	simm.s32 $_scs_section_size  }
0x9e: {  	s9 =	simm.s32 $_size__tile_overlayer_lowered;
	s10 =	simm.s32 $_tile_overlayer_lowered  }
0x9f: {  	s22 =	simm.s32 $0x1BFF;
	s21 =	sshll.u32 s10, $0x1;
	s7 =	sadd.s32 s8, s19  }
0xa0: {  	s11 =	simm.s32 $0x0;
	s20 =	sshll.u32 s9, $0x1;
	s9 =	sadd.s32 s21, s7  }
0xa1: {  	[timem:s11], [sflag:s22] =	dma.local [hbm:s9], s20  }
0xa2: {  	_ =	swait.ge [sflag:s22], s20  }
0xa3: {  	s8 =	ssub.s32 $0x0, s20;
	[sflag:s22] =	ssyncset.done $0x0  }
0xa4: {  	[sflag:s22] =	ssyncadd.s32 s8;
	_ =	sdelay $0x1  }
0xa5: {  	s23 =	simm.s32 $0x1B8B  }
0xa6: {  	_ =	swait.ge [sflag:s23], $0x1  }
0xa7: {  	[sflag:s23] =	ssyncset.done $0x0  }
0xa8: {  	s25 =	simm.s32 $0x1B8E;
	s24 =	sld [smem:$0x3FFE];
	[sflag:s23] =	ssyncadd.s32 $0xFFFFFFFF  }
0xa9: {  	s26 =	simm.s32 $execute0_lowered;
	[smem:$0x3FD2] =	sst s25  }
0xaa: {  	s9 =	sshll.u32 s26, $0x1;
	_ =	strace $0x80000046;
	[dreg:$0x1] =	wrdreg $0xFFFFFFFF  }
0xab: {  	s28 =	simm.s32 $_size_execute0_lowered;
	s7 =	sadd.s32 s7, s9;
	[dreg:$0x0] =	wrdreg $0x0  }
0xac: {  	s9 =	sshll.u32 s28, $0x1;
	[dreg:$0x2] =	wrdreg s7  }
0xad: {  	[dreg:$0x3] =	wrdreg s9  }
0xae: {  	[dreg:$0x4] =	wrdreg $0xC0  }
0xaf: {  	_ =	task [dreg:s11], $0x5FFFF  }
0xb0: {  	[dreg:$0x1] =	wrdreg $0xFFFFFFFF  }
0xb1: {  	[dreg:$0x0] =	wrdreg $0x60  }
0xb2: {  	[dreg:$0x2] =	wrdreg s2  }
0xb3: {  	[dreg:$0x3] =	wrdreg s18  }
0xb4: {  	[dreg:$0x4] =	wrdreg s4  }
0xb5: {  	[dreg:$0x5] =	wrdreg s5  }
0xb6: {  	[dreg:$0x6] =	wrdreg s24  }
0xb7: {  	[dreg:$0x7] =	wrdreg s6  }
0xb8: {  	[dreg:$0x8] =	wrdreg $0x56000  }
0xb9: {  	[dreg:$0x9] =	wrdreg $0x58000  }
0xba: {  	[dreg:$0xa] =	wrdreg $0x9  }
0xbb: {  	_ =	task.clear_ibuf [dreg:s11], $0xBFFFF;
	_ =	strace $0x90000046  }
0xbc: {  	s29 =	simm.s32 $0x9;
	_ =	strace $0x80000048  }
0xbd: {  	_ =	swait.ge [sflag:s29], $0x1  }
0xbe: {  	[sflag:s29] =	ssyncadd.s32 $0xFFFFFFFF  }
0xbf: {  	_ =	strace $0x90000048  }
0xc0: {  	_ =	sfence  }
0xc1: {  	s30 =	sld [smem:$0x0];
	_ =	sdelay $0x2  }
0xc2: {  	s31 =	sshll.u32 s1, $0xD;
	s1 =	sshrl.u32 s1, $0x2  }
0xc3: {  	s3 =	sand.u32 $0x4000, s31;
	s1 =	sadd.s32 s1, s30  }
0xc4: {  	s0 =	sor.u32 s3, s0;
	s1 =	sshll.u32 s1, $0x11  }
0xc5: {  	s0 =	sor.u32 s1, s0  }
0xc6: {  	s0 =	sadd.s32 $0x8F2B, s0  }
0xc7: {  	[sflag:s0] =	ssyncadd.remote.s32 $0x1  }
0xc8: {  	_ =	sfence.sel $0xFFFF  }
0xc9: {  	[dreg:$0x0] =	wrdreg $0xFFFFFFFF;
	(pc) =	sbr.abs _section_cstart, $3  }
0xca: {  	[dreg:$0x1] =	wrdreg $0xFFFFFFFF  }
0xcb: {  	_ =	task.clear_ibuf [dreg:s11], $0x2FFFF;
	_ =	strace $0x9FFFFFFF  }
0xcc: {  	(tm) =	ssettm $0x7FFFFFFF  }
0xcd: {  	_ =	shalt  }
tec
execute0_lowered:
.L_overlay_start_1:
0x0: {  	(tag) =	ssettag $0x1  }
0x1: {  	s0 =	rddreg [dreg:$0x0]  }
0x2: {  	s1 =	rddreg [dreg:$0x1]  }
0x3: {  	s10 =	rddreg [dreg:$0x2]  }
0x4: {  	s2 =	rddreg [dreg:$0x3]  }
0x5: {  	s3 =	rddreg [dreg:$0x4]  }
0x6: {  	s4 =	rddreg [dreg:$0x5]  }
0x7: {  	s11 =	rddreg [dreg:$0x6]  }
0x8: {  	s12 =	rddreg [dreg:$0x7];
	s6 =	srdreg.scid;
	s5 =	simm.s32 $0x0  }
0x9: {  	s9 =	stileid.u32;
	s15 =	simm.s32 $0x200;
	s16 =	simm.s32 $0x400  }
0xa: {  	s19 =	simm.s32 $0x2;
	s20 =	simm.s32 $0x80;
	s29 =	simm.s32 $0x1  }
0xb: {  	s30 =	simm.s32 $0xA00;
	s31 =	simm.s32 $0x800;
	s18 =	simm.s32 $0x2D80  }
0xc: {  	s6 =	sand.u32 $0x1, s6;
	[smem:$0x7FF] =	sst s5;
	s3 =	sadd.s32 $0x400, s3  }
0xd: {  	s22 =	sshll.u32 s9, $0x6;
	s23 =	sshll.u32 s9, $0xC;
	s9 =	sshll.u32 s9, $0x9  }
0xe: {  	v4 =	vimm.s32 $0x0;
	s7 =	ssub.s32 $0x2, s6;
	_ =	strace $0x80000047;
	[dreg:$0x9] =	wrdreg s3  }
0xf: {  	v12 =	vimm.s32 $0x8;
	v13 =	vimm.s32 $0x9;
	vm0 =	vcmask $0x300;
	s6 =	sshll.u32 s6, $0xB;
	s10 =	sadd.s32 s10, s22;
	s1 =	sadd.s32 s1, s22  }
0x10: {  	v16 =	vimm.f32 $0.0e+00;
	v14 =	vimm.s32 $0x2007;
	v15 =	vimm.s32 $0x2006;
	s24 =	sadd.s32 s2, s22;
	[dreg:$0xa] =	wrdreg s10;
	s6 =	sor.u32 s6, s23  }
0x11: {  	v18 =	vimm.s32 $0x2008;
	v19 =	vimm.s32 $0x2000;
	s26 =	sadd.s32 s9, s11;
	s28 =	sadd.s32 s9, s12;
	[dreg:$0xb] =	wrdreg s1;
	v0 =	vmov s6  }
.Ltmp0:
0x12: {  	s3 =	simm.s32 $0x4E00;
	[dreg:$0xc] =	wrdreg s24;
	v2 =	vcvt.s32.f32 v0;
	v1 =	vadd.s32 $0xFFFFFFFF, v0;
	v0 =	vlaneseq.u32;
	(pc) =	sbr.rel .LBB2_1-.Ltmp0, $4  }
0x13: {  	v16 =	vsel vm0, $0xBF800000, v16;
	s22 =	simm.s32 $0x0;
	s8 =	sshrl.u32 s7, $0x1;
	[dreg:$0xd] =	wrdreg s26;
	v1 =	vcvt.s32.f32 v1;
	v3 =	vor.u32 s6, v0  }
0x14: {  	[dreg:$0xe] =	wrdreg s28;
	s21 =	ssub.s32 s7, s8;
	s25 =	sshrl.u32 s6, $0x3;
	v5 =	vor.u32 $0x10, v0;
	v6 =	vor.u32 $0x20, v0;
	v7 =	vor.u32 $0x30, v0  }
0x15: {  	s1 =	sadd.s32 s4, s25;
	s14 =	smax.u32 s21, $0x1;
	s21 =	simm.s32 $0x600;
	v8 =	vor.u32 $0x40, v0;
	v9 =	vor.u32 $0x50, v0;
	v10 =	vor.u32 $0x60, v0  }
0x16: {  	s4 =	simm.s32 $0x3;
	[dreg:$0xf] =	wrdreg s1;
	v11 =	vor.u32 $0x70, v0;
	s1 =	simm.s32 $0xD00;
	v17 =	vadd.s32 $0x6, v0;
	v2 =	vadd.f32 $2.047000000e+03, v2  }
.LBB2_14:
0x17: {  	s22 =	sadd.s32 $0x1, s22  }
0x18: {  	p0 =	sne.s32 s22, s14  }
.Ltmp1:
0x19: {  	s2 =	rddreg [dreg:$0xf];
	(pc) =	sbr.rel @!p0 .LBB2_15-.Ltmp1, $4  }
0x1a: {  	[hbm4b:s2+s5] =	stream.linear.scatter [tilespmem:s3], [sflag:$0x3], $0x800, $0x38;
	[tilespmem:$0x5A00] =	vst v63  }
0x1b: {  	_ =	swait.ge [sflag:s4], $0x800  }
0x1c: {  	[sflag:s4] =	ssyncset.done $0x0  }
0x1d: {  	[sflag:s4] =	ssyncadd.s32 $0xFFFFF800  }
.LBB2_1:
0x1e: {  	s2 =	rddreg [dreg:$0xa]  }
0x1f: {  	[tilespmem:s15], [sflag:$0x2] =	stream.linear.gather [hbm4b:s2+s5], $0x200, $0x38;
	[tilespmem:$0x5A00] =	vst v63  }
0x20: {  	s10 =	rddreg [dreg:$0xb]  }
0x21: {  	[tilespmem:s5], [sflag:$0x1] =	stream.linear.gather [hbm4b:s10+s5], $0x200, $0x38;
	[tilespmem:$0x5A00] =	vst v63  }
0x22: {  	s11 =	rddreg [dreg:$0xc]  }
0x23: {  	[tilespmem:s16], [sflag:$0x1] =	stream.linear.gather [hbm4b:s11+s5], $0x200, $0x38;
	[tilespmem:$0x5A00] =	vst v63  }
0x24: {  	s12 =	rddreg [dreg:$0x2];
	s6 =	simm.s32 $0xC00  }
0x25: {  	[tilespmem:s6], [sflag:$0x1] =	stream.linear.gather [hbm4b:s12+s5], $0x10, $0x38;
	[tilespmem:$0x5A00] =	vst v63  }
0x26: {  	s13 =	rddreg [dreg:$0x9];
	s7 =	simm.s32 $0xC80  }
0x27: {  	[tilespmem:s7], [sflag:$0x1] =	stream.linear.gather [hbm4b:s13+s5], $0x80, $0x38;
	[tilespmem:$0x5A00] =	vst v63  }
0x28: {  	_ =	swait.ge [sflag:s19], $0x200  }
0x29: {  	[sflag:s19] =	ssyncset.done $0x0  }
0x2a: {  	[sflag:s19] =	ssyncadd.s32 $0xFFFFFE00  }
0x2b: {  	[tilespmem:s21], [sflag:$0x2] =	stream.indirect.gather [hbm4b:s0+s20], $0x1, s15, s20, $0xb8;
	[tilespmem:$0x5A00] =	vst v63  }
0x2c: {  	s17 =	simm.s32 $0x280;
	s23 =	simm.s32 $0x680  }
0x2d: {  	[tilespmem:s23], [sflag:$0x2] =	stream.indirect.gather [hbm4b:s0+s20], $0x1, s17, s20, $0xb8;
	[tilespmem:$0x5A00] =	vst v63  }
0x2e: {  	s24 =	simm.s32 $0x300;
	s25 =	simm.s32 $0x700  }
0x2f: {  	[tilespmem:s25], [sflag:$0x2] =	stream.indirect.gather [hbm4b:s0+s20], $0x1, s24, s20, $0xb8;
	[tilespmem:$0x5A00] =	vst v63  }
0x30: {  	s26 =	simm.s32 $0x380;
	s28 =	simm.s32 $0x780  }
0x31: {  	[tilespmem:s28], [sflag:$0x2] =	stream.indirect.gather [hbm4b:s0+s20], $0x1, s26, s20, $0xb8;
	[tilespmem:$0x5A00] =	vst v63  }
0x32: {  	_ =	swait.ge [sflag:s29], $0x200  }
0x33: {  	[sflag:s29] =	ssyncset.done $0x0  }
0x34: {  	[sflag:s29] =	ssyncadd.s32 $0xFFFFFE00  }
0x35: {  	_ =	swait.ge [sflag:s29], $0x200  }
0x36: {  	[sflag:s29] =	ssyncset.done $0x0  }
0x37: {  	[sflag:s29] =	ssyncadd.s32 $0xFFFFFE00  }
0x38: {  	_ =	swait.ge [sflag:s29], $0x10  }
0x39: {  	[sflag:s29] =	ssyncset.done $0x0  }
0x3a: {  	[sflag:s29] =	ssyncadd.s32 $0xFFFFFFF0  }
0x3b: {  	_ =	swait.ge [sflag:s29], $0x80  }
0x3c: {  	[sflag:s29] =	ssyncset.done $0x0  }
0x3d: {  	[sflag:s29] =	ssyncadd.s32 $0xFFFFFF80  }
0x3e: {  	v27 =	vld.msk [tilespmem:s6+$0x0], $0xffff;
	_ =	swait.ge [sflag:s19], $0x80  }
0x3f: {  	[sflag:s19] =	ssyncset.done $0x0  }
0x40: {  	v20 =	vmov s5;
	[sflag:s19] =	ssyncadd.s32 $0xFFFFFF80  }
0x41: {  	v20 =	vshrl.u32 v20, $0x7;
	_ =	swait.ge [sflag:s19], $0x80  }
0x42: {  	v20 =	vshll.u32 v20, $0x7;
	[sflag:s19] =	ssyncset.done $0x0  }
0x43: {  	v26 =	vbroadcast v20, $0x0;
	[sflag:s19] =	ssyncadd.s32 $0xFFFFFF80  }
0x44: {  	_ =	swait.ge [sflag:s19], $0x80  }
0x45: {  	v21 =	vor.u32 v7, v26;
	[sflag:s19] =	ssyncset.done $0x0  }
0x46: {  	v22 =	vor.u32 v6, v26;
	[sflag:s19] =	ssyncadd.s32 $0xFFFFFF80  }
0x47: {  	v24 =	vor.u32 v5, v26;
	_ =	swait.ge [sflag:s19], $0x80  }
0x48: {  	[sflag:s19] =	ssyncset.done $0x0  }
0x49: {  	v28 =	vor.u32 v0, v26;
	[sflag:s19] =	ssyncadd.s32 $0xFFFFFF80  }
0x4a: {  	v29 =	vld.idx.msk [tilespmem:v21+s16+$0x0], $0xffff  }
0x4b: {  	v36 =	vld.idx.msk [tilespmem:v22+s15+$0x0], $0xffff  }
0x4c: {  	v35 =	vld.idx.msk [tilespmem:v24+s16+$0x0], $0xffff  }
0x4d: {  	v32 =	vld.idx.msk [tilespmem:v21+s15+$0x0], $0xffff  }
0x4e: {  	v23 =	vor.u32 v8, v26;
	v37 =	vld.idx.msk [tilespmem:v28+s16+$0x0], $0xffff  }
0x4f: {  	v33 =	vld.idx.msk [tilespmem:v28+s15+$0x0], $0xffff  }
0x50: {  	v38 =	vld.idx.msk [tilespmem:v24+s15+$0x0], $0xffff  }
0x51: {  	v30 =	vld.idx.msk [tilespmem:v28+s5+$0x0], $0xffff  }
0x52: {  	v20 =	vor.u32 v10, v26;
	v41 =	vld.idx.msk [tilespmem:v28+s21+$0x0], $0xffff  }
0x53: {  	v34 =	vld.idx.msk [tilespmem:v23+s15+$0x0], $0xffff  }
0x54: {  	v39 =	vld.idx.msk [tilespmem:v22+s21+$0x0], $0xffff  }
0x55: {  	v40 =	vld.idx.msk [tilespmem:v24+s5+$0x0], $0xffff  }
0x56: {  	v25 =	vor.u32 v11, v26;
	v44 =	vld.idx.msk [tilespmem:v22+s5+$0x0], $0xffff  }
0x57: {  	v26 =	vor.u32 v9, v26;
	v49 =	vld.idx.msk [tilespmem:v20+s15+$0x0], $0xffff;
	(erf) = vrcp.f32 v30  }
0x58: {  	v42 =	vld.idx.msk [tilespmem:v24+s21+$0x0], $0xffff  }
0x59: {  	v47 =	vld.idx.msk [tilespmem:v21+s5+$0x0], $0xffff  }
0x5a: {  	v46 =	vld.idx.msk [tilespmem:v23+s5+$0x0], $0xffff  }
0x5b: {  	v31 =	vld.idx.msk [tilespmem:v25+s21+$0x0], $0xffff  }
0x5c: {  	vm0 =	vne.s32 v27, $0x0;
	v48 =	vld.idx.msk [tilespmem:v26+s5+$0x0], $0xffff;
	(erf) = vrcp.f32 v40  }
0x5d: {  	v27 =	vsel vm0, $0x1, v4;
	v45 =	vld.idx.msk [tilespmem:v20+s5+$0x0], $0xffff;
	(erf) = vrcp.f32 v44  }
0x5e: {  	v30 =	vld.idx.msk [tilespmem:v25+s16+$0x0], $0xffff;
	v43 =	vadd.s32 v27, v33  }
0x5f: {  	v34 =	vadd.s32 v27, v34;
	v33 =	vld.idx.msk [tilespmem:v25+s15+$0x0], $0xffff;
	v38 =	vadd.s32 v27, v38;
	v50 =	vadd.s32 v27, v32  }
0x60: {  	s2 =	simm.s32 $0x80;
	v32 =	vadd.s32 v27, v49;
	v40 =	vcvt.s32.f32 v38;
	v38 =	vcvt.s32.f32 v50;
	v44 =	vld.idx.msk [tilespmem:v25+s5+$0x0], $0xffff;
	v49 =	vpop (erf)  }
.LBB2_2:
0x61: {  	p0 =	sne.s32 s2, $0x180;
	v50 =	vld.idx.msk [tilespmem:v26+s15+$0x0], $0xffff;
	(erf) = vrcp.f32 v47;
	s6 =	smov.u32 s2;
	s2 =	sadd.s32 $0x80, s2  }
0x62: {  	v47 =	vld.idx.msk [tilespmem:v20+s21+$0x0], $0xffff;
	(erf) = vrcp.f32 v46  }
0x63: {  	v46 =	vld.idx.msk [tilespmem:v22+s16+$0x0], $0xffff;
	(erf) = vrcp.f32 v48  }
0x64: {  	v41 =	vmul.f32 v41, v49;
	v43 =	vcvt.s32.f32 v43;
	v48 =	vmov s6;
	v51 =	vld.idx.msk [tilespmem:v20+s16+$0x0], $0xffff  }
0x65: {  	v36 =	vadd.s32 v27, v36;
	v48 =	vshrl.u32 v48, $0x7;
	v49 =	vld.idx.msk [tilespmem:v21+s21+$0x0], $0xffff;
	v52 =	vpop (erf)  }
0x66: {  	v36 =	vcvt.s32.f32 v36;
	v48 =	vshll.u32 v48, $0x7;
	v53 =	vld.idx.msk [tilespmem:v23+s21+$0x0], $0xffff;
	v42 =	vmul.f32 v42, v52;
	v52 =	vpop (erf)  }
0x67: {  	v48 =	vbroadcast v48, $0x0;
	v50 =	vadd.s32 v27, v50;
	v54 =	vld.idx.msk [tilespmem:v26+s16+$0x0], $0xffff;
	v55 =	vmul.f32 v39, v52  }
0x68: {  	v37 =	vmul.f32 v41, v37;
	v52 =	vld.idx.msk [tilespmem:v26+s21+$0x0], $0xffff;
	(erf) = vrcp.f32 v45  }
0x69: {  	v41 =	vor.u32 v0, v48;
	v35 =	vmul.f32 v42, v35;
	v45 =	vld.idx.msk [tilespmem:v23+s16+$0x0], $0xffff;
	(erf) = vrcp.f32 v44  }
0x6a: {  	[tilespmem:v28+s30+$0x0] =	vst.idx.msk $0xffff, v37;
	v37 =	vmul.f32 v55, v46;
	v39 =	vpop (erf)  }
0x6b: {  	v42 =	vor.u32 v5, v48;
	[tilespmem:v28+s31+$0x0] =	vst.idx.msk $0xffff, v43;
	v39 =	vmul.f32 v49, v39;
	v43 =	vpop (erf);
	v28 =	vmov v41  }
0x6c: {  	[tilespmem:v24+s30+$0x0] =	vst.idx.msk $0xffff, v35;
	v35 =	vmul.f32 v53, v43;
	v41 =	vpop (erf)  }
0x6d: {  	v43 =	vor.u32 v6, v48;
	[tilespmem:v24+s31+$0x0] =	vst.idx.msk $0xffff, v40;
	v29 =	vmul.f32 v39, v29;
	v24 =	vmov v42  }
0x6e: {  	v40 =	vmul.f32 v52, v41;
	[tilespmem:v22+s30+$0x0] =	vst.idx.msk $0xffff, v37  }
0x6f: {  	v39 =	vor.u32 v7, v48;
	v35 =	vmul.f32 v35, v45;
	[tilespmem:v22+s31+$0x0] =	vst.idx.msk $0xffff, v36;
	v22 =	vmov v43  }
0x70: {  	[tilespmem:v21+s30+$0x0] =	vst.idx.msk $0xffff, v29;
	v29 =	vmul.f32 v40, v54  }
0x71: {  	v34 =	vcvt.s32.f32 v34;
	v36 =	vor.u32 v8, v48;
	[tilespmem:v21+s31+$0x0] =	vst.idx.msk $0xffff, v38;
	v37 =	vpop (erf);
	v21 =	vmov v39  }
0x72: {  	v33 =	vadd.s32 v27, v33;
	[tilespmem:v23+s30+$0x0] =	vst.idx.msk $0xffff, v35;
	v35 =	vcvt.s32.f32 v50;
	v37 =	vmul.f32 v47, v37;
	v38 =	vpop (erf)  }
0x73: {  	v33 =	vcvt.s32.f32 v33;
	v39 =	vor.u32 v9, v48;
	[tilespmem:v23+s31+$0x0] =	vst.idx.msk $0xffff, v34;
	v31 =	vmul.f32 v31, v38  }
0x74: {  	v23 =	vmov v36;
	[tilespmem:v26+s30+$0x0] =	vst.idx.msk $0xffff, v29;
	v29 =	vmul.f32 v37, v51  }
0x75: {  	v32 =	vcvt.s32.f32 v32;
	v34 =	vor.u32 v10, v48;
	[tilespmem:v26+s31+$0x0] =	vst.idx.msk $0xffff, v35;
	v30 =	vmul.f32 v31, v30  }
0x76: {  	v26 =	vmov v39;
	[tilespmem:v20+s30+$0x0] =	vst.idx.msk $0xffff, v29  }
0x77: {  	[tilespmem:v20+s31+$0x0] =	vst.idx.msk $0xffff, v32;
	v20 =	vmov v34  }
0x78: {  	[tilespmem:v25+s30+$0x0] =	vst.idx.msk $0xffff, v30  }
0x79: {  	[tilespmem:v25+s31+$0x0] =	vst.idx.msk $0xffff, v33  }
0x7a: {  	v29 =	vld.idx.msk [tilespmem:v21+s16+$0x0], $0xffff  }
0x7b: {  	v36 =	vld.idx.msk [tilespmem:v43+s15+$0x0], $0xffff  }
0x7c: {  	v35 =	vld.idx.msk [tilespmem:v24+s16+$0x0], $0xffff  }
0x7d: {  	v38 =	vld.idx.msk [tilespmem:v21+s15+$0x0], $0xffff  }
0x7e: {  	v37 =	vld.idx.msk [tilespmem:v28+s16+$0x0], $0xffff  }
0x7f: {  	v30 =	vld.idx.msk [tilespmem:v28+s15+$0x0], $0xffff  }
0x80: {  	v25 =	vor.u32 v11, v48;
	v32 =	vld.idx.msk [tilespmem:v24+s15+$0x0], $0xffff  }
0x81: {  	v31 =	vld.idx.msk [tilespmem:v28+s5+$0x0], $0xffff  }
0x82: {  	v41 =	vld.idx.msk [tilespmem:v28+s21+$0x0], $0xffff  }
0x83: {  	v33 =	vld.idx.msk [tilespmem:v23+s15+$0x0], $0xffff  }
0x84: {  	v39 =	vld.idx.msk [tilespmem:v22+s21+$0x0], $0xffff  }
0x85: {  	v43 =	vadd.s32 v27, v30;
	v40 =	vld.idx.msk [tilespmem:v24+s5+$0x0], $0xffff  }
0x86: {  	v44 =	vld.idx.msk [tilespmem:v22+s5+$0x0], $0xffff  }
0x87: {  	v45 =	vld.idx.msk [tilespmem:v34+s15+$0x0], $0xffff;
	(erf) = vrcp.f32 v31  }
0x88: {  	v42 =	vld.idx.msk [tilespmem:v24+s21+$0x0], $0xffff  }
0x89: {  	v34 =	vadd.s32 v27, v33;
	v47 =	vld.idx.msk [tilespmem:v21+s5+$0x0], $0xffff  }
0x8a: {  	v46 =	vld.idx.msk [tilespmem:v23+s5+$0x0], $0xffff  }
0x8b: {  	v31 =	vld.idx.msk [tilespmem:v25+s21+$0x0], $0xffff  }
.Ltmp2:
0x8c: {  	v30 =	vld.idx.msk [tilespmem:v25+s16+$0x0], $0xffff;
	(erf) = vrcp.f32 v40;
	(pc) =	sbr.rel @p0 .LBB2_2-.Ltmp2, $4  }
0x8d: {  	v40 =	vadd.s32 v27, v32;
	v32 =	vadd.s32 v27, v45;
	v48 =	vld.idx.msk [tilespmem:v26+s5+$0x0], $0xffff;
	(erf) = vrcp.f32 v44  }
0x8e: {  	v40 =	vcvt.s32.f32 v40;
	v33 =	vld.idx.msk [tilespmem:v25+s15+$0x0], $0xffff  }
0x8f: {  	v38 =	vadd.s32 v27, v38;
	v45 =	vld.idx.msk [tilespmem:v20+s5+$0x0], $0xffff  }
0x90: {  	v38 =	vcvt.s32.f32 v38;
	v44 =	vld.idx.msk [tilespmem:v25+s5+$0x0], $0xffff;
	v49 =	vpop (erf)  }
0x91: {  	_ =	sdelay $0x2  }
0x92: {  	(erf) = vrcp.f32 v47  }
0x93: {  	v50 =	vld.idx.msk [tilespmem:v26+s15+$0x0], $0xffff  }
0x94: {  	v47 =	vld.idx.msk [tilespmem:v20+s21+$0x0], $0xffff  }
0x95: {  	v51 =	vld.idx.msk [tilespmem:v22+s16+$0x0], $0xffff;
	(erf) = vrcp.f32 v46  }
0x96: {  	v52 =	vld.idx.msk [tilespmem:v21+s21+$0x0], $0xffff;
	v41 =	vmul.f32 v41, v49  }
0x97: {  	v57 =	vld.idx.msk [tilespmem:v23+s21+$0x0], $0xffff;
	(erf) = vrcp.f32 v48  }
0x98: {  	v58 =	vld.idx.msk [tilespmem:v26+s16+$0x0], $0xffff;
	v37 =	vmul.f32 v41, v37;
	v56 =	vpop (erf)  }
0x99: {  	v59 =	vld.idx.msk [tilespmem:v26+s21+$0x0], $0xffff;
	v42 =	vmul.f32 v42, v56;
	v53 =	vpop (erf);
	(erf) = vrcp.f32 v45  }
0x9a: {  	v43 =	vcvt.s32.f32 v43;
	v60 =	vld.idx.msk [tilespmem:v23+s16+$0x0], $0xffff;
	v39 =	vmul.f32 v39, v53  }
0x9b: {  	v46 =	vld.idx.msk [tilespmem:v20+s16+$0x0], $0xffff;
	[tilespmem:v28+s30+$0x0] =	vst.idx.msk $0xffff, v37;
	(erf) = vrcp.f32 v44;
	v35 =	vmul.f32 v42, v35;
	v61 =	vpop (erf)  }
0x9c: {  	[tilespmem:v28+s31+$0x0] =	vst.idx.msk $0xffff, v43;
	v28 =	vmul.f32 v39, v51;
	v37 =	vmul.f32 v52, v61  }
0x9d: {  	v36 =	vadd.s32 v27, v36;
	[tilespmem:v24+s30+$0x0] =	vst.idx.msk $0xffff, v35  }
0x9e: {  	v62 =	vcvt.s32.f32 v36;
	v63 =	vpop (erf);
	[tilespmem:v24+s31+$0x0] =	vst.idx.msk $0xffff, v40;
	v29 =	vmul.f32 v37, v29  }
0x9f: {  	v24 =	vmul.f32 v57, v63;
	[tilespmem:v22+s30+$0x0] =	vst.idx.msk $0xffff, v28  }
0xa0: {  	v28 =	vpop (erf);
	[tilespmem:v22+s31+$0x0] =	vst.idx.msk $0xffff, v62  }
0xa1: {  	v22 =	vmul.f32 v59, v28;
	v24 =	vmul.f32 v24, v60;
	[tilespmem:v21+s30+$0x0] =	vst.idx.msk $0xffff, v29  }
0xa2: {  	v28 =	vadd.s32 v27, v50;
	[tilespmem:v21+s31+$0x0] =	vst.idx.msk $0xffff, v38;
	v21 =	vcvt.s32.f32 v34;
	v29 =	vpop (erf)  }
0xa3: {  	v22 =	vmul.f32 v22, v58;
	[tilespmem:v23+s30+$0x0] =	vst.idx.msk $0xffff, v24;
	v24 =	vmul.f32 v47, v29  }
0xa4: {  	v28 =	vcvt.s32.f32 v28;
	v29 =	vpop (erf);
	[tilespmem:v23+s31+$0x0] =	vst.idx.msk $0xffff, v21  }
0xa5: {  	v21 =	vmul.f32 v31, v29;
	[tilespmem:v26+s30+$0x0] =	vst.idx.msk $0xffff, v22;
	v22 =	vmul.f32 v24, v46  }
0xa6: {  	v23 =	vcvt.s32.f32 v32;
	[tilespmem:v26+s31+$0x0] =	vst.idx.msk $0xffff, v28  }
0xa7: {  	v24 =	vadd.s32 v27, v33;
	v21 =	vmul.f32 v21, v30;
	[tilespmem:v20+s30+$0x0] =	vst.idx.msk $0xffff, v22  }
0xa8: {  	v22 =	vcvt.s32.f32 v24;
	[tilespmem:v20+s31+$0x0] =	vst.idx.msk $0xffff, v23  }
0xa9: {  	[tilespmem:v25+s30+$0x0] =	vst.idx.msk $0xffff, v21  }
0xaa: {  	s2 =	rddreg [dreg:$0xd];
	[tilespmem:v25+s31+$0x0] =	vst.idx.msk $0xffff, v22  }
0xab: {  	[spmem:s2] =	stream.linear.scatter [tilespmem:s31], [sflag:$0x2], $0x200, $0x38;
	[tilespmem:$0x5A00] =	vst v63  }
0xac: {  	s23 =	rddreg [dreg:$0xe]  }
0xad: {  	[spmem:s23] =	stream.linear.scatter [tilespmem:s30], [sflag:$0x2], $0x200, $0x38;
	[tilespmem:$0x5A00] =	vst v63  }
0xae: {  	_ =	swait.ge [sflag:s19], $0x200  }
0xaf: {  	[sflag:s19] =	ssyncset.done $0x0  }
0xb0: {  	[sflag:s19] =	ssyncadd.s32 $0xFFFFFE00  }
0xb1: {  	_ =	swait.ge [sflag:s19], $0x200  }
0xb2: {  	[sflag:s19] =	ssyncset.done $0x0  }
0xb3: {  	[sflag:s19] =	ssyncadd.s32 $0xFFFFFE00  }
0xb4: {  	[bflag:$0x0] =	sbarrier.arrive $0xFFFF  }
0xb5: {  	s6 =	simm.s32 $0xD08;
	s24 =	rddreg [dreg:$0x6]  }
0xb6: {  	[tilespmem:s6], [sflag:$0x2] =	stream.linear.gather [spmem:s24], $0x2000, $0x38;
	[tilespmem:$0x5A00] =	vst v63  }
0xb7: {  	s26 =	simm.s32 $0x2D88;
	s25 =	rddreg [dreg:$0x7]  }
0xb8: {  	[tilespmem:s26], [sflag:$0x2] =	stream.linear.gather [spmem:s25], $0x2000, $0x38;
	[tilespmem:$0x5A00] =	vst v63  }
0xb9: {  	_ =	swait.ge [sflag:s19], $0x2000  }
0xba: {  	[sflag:s19] =	ssyncset.done $0x0  }
0xbb: {  	[sflag:s19] =	ssyncadd.s32 $0xFFFFE000  }
0xbc: {  	_ =	swait.ge [sflag:s19], $0x2000  }
0xbd: {  	[sflag:s19] =	ssyncset.done $0x0  }
0xbe: {  	[sflag:s19] =	ssyncadd.s32 $0xFFFFE000  }
0xbf: {  	v20 =	vld.idx.msk [tilespmem:v12+s1+$0x0], $0xffff  }
0xc0: {  	v22 =	vld.idx.msk [tilespmem:v13+s1+$0x0], $0xffff;
	_ =	sdelay $0x2  }
0xc1: {  	v21 =	vld.idx.msk [tilespmem:v14+s1+$0x0], $0xffff  }
0xc2: {  	v23 =	vld.idx.msk [tilespmem:v15+s1+$0x0], $0xffff  }
0xc3: {  	v22 =	vsub.f32 v22, v20;
	_ =	sdelay $0x1  }
0xc4: {  	(erf) = vrcp.f32 v22;
	_ =	sdelay $0x1  }
0xc5: {  	v24 =	vld.idx.msk [tilespmem:v13+s18+$0x0], $0xffff;
	v23 =	vsub.f32 v21, v23  }
0xc6: {  	v22 =	vld.idx.msk [tilespmem:v12+s18+$0x0], $0xffff  }
0xc7: {  	(erf) = vrcp.f32 v23;
	_ =	sdelay $0x1  }
0xc8: {  	v25 =	vld.idx.msk [tilespmem:v15+s18+$0x0], $0xffff  }
0xc9: {  	v23 =	vld.idx.msk [tilespmem:v14+s18+$0x0], $0xffff  }
0xca: {  	v24 =	vsub.f32 v24, v22  }
0xcb: {  	v26 =	vpop (erf)  }
0xcc: {  	v24 =	vmul.f32 v24, v26;
	_ =	sdelay $0x1  }
0xcd: {  	v25 =	vsub.f32 v23, v25;
	v24 =	vmul.f32 v24, v20  }
0xce: {  	v26 =	vpop (erf)  }
0xcf: {  	v25 =	vmul.f32 v25, v26;
	v26 =	vsub.f32 $6.553500000e+04, v21;
	v24 =	vsub.f32 v22, v24  }
0xd0: {  	vm0 =	vgt.f32 v20, $0.0e+00  }
0xd1: {  	vm10 =	veq.s32 v0, $0x0;
	v20 =	vsel vm0, v24, v22;
	v22 =	vmul.f32 v25, v26  }
0xd2: {  	[tilespmem:v17+s1+$0x0] =	vst.idx.msk $0x3, v16;
	v20 =	vsel vm10, $0x0, v20  }
0xd3: {  	v22 =	vadd.f32 v22, v23;
	v23 =	vmax.f32 v21, $6.553500000e+04;
	[tilespmem:v17+s18+$0x0] =	vst.idx.msk $0x3, v20  }
0xd4: {  	[tilespmem:v18+s1+$0x0] =	vst.idx.msk $0x1, v23  }
0xd5: {  	[tilespmem:v18+s18+$0x0] =	vst.idx.msk $0x1, v22  }
0xd6: {  	v20 =	vld.idx.msk [tilespmem:v14+s1+$0x0], $0xffff;
	_ =	sdelay $0x4  }
0xd7: {  	vm11 =	vle.f32 v20, v1  }
0xd8: {  	vm12 =	vle.f32 v20, v2;
	v22 =	vsel vm11, $0x2000, v4  }
0xd9: {  	v23 =	vsel vm12, $0x2000, v4;
	v20 =	vor.u32 $0x1000, v22  }
0xda: {  	v25 =	vor.u32 $0x1000, v23;
	v24 =	vmin.u32 v20, $0x2001  }
0xdb: {  	v26 =	vmin.u32 v25, $0x2001;
	v24 =	vadd.s32 $0x7, v24  }
0xdc: {  	v26 =	vadd.s32 $0x7, v26;
	_ =	sdelay $0x3  }
0xdd: {  	v24 =	vld.idx.msk [tilespmem:v24+s1+$0x0], $0xffff  }
0xde: {  	v26 =	vld.idx.msk [tilespmem:v26+s1+$0x0], $0xffff;
	_ =	sdelay $0x3  }
0xdf: {  	vm13 =	vlt.u32 v20, $0x2002;
	vm1 =	vle.f32 v24, v1  }
0xe0: {  	vm14 =	vlt.u32 v25, $0x2002;
	vm2 =	vle.f32 v26, v2;
	vm0 =	vmand vm1, vm13  }
0xe1: {  	vm15 =	vmand vm14, vm2;
	v20 =	vsel vm0, v20, v22  }
0xe2: {  	v23 =	vsel vm15, v25, v23;
	v22 =	vor.u32 $0x800, v20  }
0xe3: {  	v25 =	vor.u32 $0x800, v23;
	v24 =	vmin.u32 v22, $0x2001  }
0xe4: {  	v26 =	vmin.u32 v25, $0x2001;
	v24 =	vadd.s32 $0x7, v24  }
0xe5: {  	v26 =	vadd.s32 $0x7, v26;
	_ =	sdelay $0x3  }
0xe6: {  	v24 =	vld.idx.msk [tilespmem:v24+s1+$0x0], $0xffff  }
0xe7: {  	v26 =	vld.idx.msk [tilespmem:v26+s1+$0x0], $0xffff;
	_ =	sdelay $0x3  }
0xe8: {  	vm4 =	vlt.u32 v22, $0x2002;
	vm5 =	vle.f32 v24, v1  }
0xe9: {  	vm6 =	vlt.u32 v25, $0x2002;
	vm7 =	vle.f32 v26, v2;
	vm0 =	vmand vm5, vm4  }
0xea: {  	vm8 =	vmand vm7, vm6;
	v20 =	vsel vm0, v22, v20  }
0xeb: {  	v23 =	vsel vm8, v25, v23;
	v22 =	vor.u32 $0x400, v20  }
0xec: {  	v25 =	vor.u32 $0x400, v23;
	v24 =	vmin.u32 v22, $0x2001  }
0xed: {  	v26 =	vmin.u32 v25, $0x2001;
	v24 =	vadd.s32 $0x7, v24  }
0xee: {  	v26 =	vadd.s32 $0x7, v26;
	_ =	sdelay $0x3  }
0xef: {  	v24 =	vld.idx.msk [tilespmem:v24+s1+$0x0], $0xffff  }
0xf0: {  	v26 =	vld.idx.msk [tilespmem:v26+s1+$0x0], $0xffff;
	_ =	sdelay $0x3  }
0xf1: {  	vm9 =	vlt.u32 v22, $0x2002;
	vm10 =	vle.f32 v24, v1  }
0xf2: {  	vm11 =	vlt.u32 v25, $0x2002;
	vm12 =	vle.f32 v26, v2;
	vm0 =	vmand vm10, vm9  }
0xf3: {  	vm13 =	vmand vm12, vm11;
	v20 =	vsel vm0, v22, v20  }
0xf4: {  	v23 =	vsel vm13, v25, v23;
	v22 =	vadd.s32 $0x200, v20  }
0xf5: {  	v25 =	vadd.s32 $0x200, v23;
	v24 =	vmin.u32 v22, $0x2001  }
0xf6: {  	v26 =	vmin.u32 v25, $0x2001;
	v24 =	vadd.s32 $0x7, v24  }
0xf7: {  	v26 =	vadd.s32 $0x7, v26;
	_ =	sdelay $0x3  }
0xf8: {  	v24 =	vld.idx.msk [tilespmem:v24+s1+$0x0], $0xffff  }
0xf9: {  	v26 =	vld.idx.msk [tilespmem:v26+s1+$0x0], $0xffff;
	_ =	sdelay $0x3  }
0xfa: {  	vm14 =	vlt.u32 v20, $0x1E02;
	vm15 =	vle.f32 v24, v1  }
0xfb: {  	vm4 =	vlt.u32 v23, $0x1E02;
	vm5 =	vle.f32 v26, v2;
	vm0 =	vmand vm15, vm14  }
0xfc: {  	vm6 =	vmand vm5, vm4;
	v20 =	vsel vm0, v22, v20  }
0xfd: {  	v23 =	vsel vm6, v25, v23;
	v22 =	vadd.s32 $0x100, v20  }
0xfe: {  	v25 =	vadd.s32 $0x100, v23;
	v24 =	vmin.u32 v22, $0x2001  }
0xff: {  	v26 =	vmin.u32 v25, $0x2001;
	v24 =	vadd.s32 $0x7, v24  }
0x100: {  	v26 =	vadd.s32 $0x7, v26;
	_ =	sdelay $0x3  }
0x101: {  	v24 =	vld.idx.msk [tilespmem:v24+s1+$0x0], $0xffff  }
0x102: {  	v26 =	vld.idx.msk [tilespmem:v26+s1+$0x0], $0xffff;
	_ =	sdelay $0x3  }
0x103: {  	vm7 =	vlt.u32 v20, $0x1F02;
	vm8 =	vle.f32 v24, v1  }
0x104: {  	vm9 =	vlt.u32 v23, $0x1F02;
	vm10 =	vle.f32 v26, v2;
	vm0 =	vmand vm8, vm7  }
0x105: {  	vm11 =	vmand vm10, vm9;
	v20 =	vsel vm0, v22, v20  }
0x106: {  	v23 =	vsel vm11, v25, v23;
	v22 =	vadd.s32 $0x80, v20  }
0x107: {  	v25 =	vadd.s32 $0x80, v23;
	v24 =	vmin.u32 v22, $0x2001  }
0x108: {  	v26 =	vmin.u32 v25, $0x2001;
	v24 =	vadd.s32 $0x7, v24  }
0x109: {  	v26 =	vadd.s32 $0x7, v26;
	_ =	sdelay $0x3  }
0x10a: {  	v24 =	vld.idx.msk [tilespmem:v24+s1+$0x0], $0xffff  }
0x10b: {  	v26 =	vld.idx.msk [tilespmem:v26+s1+$0x0], $0xffff;
	_ =	sdelay $0x3  }
0x10c: {  	vm12 =	vlt.u32 v20, $0x1F82;
	vm13 =	vle.f32 v24, v1  }
0x10d: {  	vm14 =	vlt.u32 v23, $0x1F82;
	vm15 =	vle.f32 v26, v2;
	vm0 =	vmand vm13, vm12  }
0x10e: {  	vm4 =	vmand vm15, vm14;
	v20 =	vsel vm0, v22, v20  }
0x10f: {  	v23 =	vsel vm4, v25, v23;
	v22 =	vadd.s32 $0x40, v20  }
0x110: {  	v25 =	vadd.s32 $0x40, v23;
	v24 =	vmin.u32 v22, $0x2001  }
0x111: {  	v26 =	vmin.u32 v25, $0x2001;
	v24 =	vadd.s32 $0x7, v24  }
0x112: {  	v26 =	vadd.s32 $0x7, v26;
	_ =	sdelay $0x3  }
0x113: {  	v24 =	vld.idx.msk [tilespmem:v24+s1+$0x0], $0xffff  }
0x114: {  	v26 =	vld.idx.msk [tilespmem:v26+s1+$0x0], $0xffff;
	_ =	sdelay $0x3  }
0x115: {  	vm5 =	vlt.u32 v20, $0x1FC2;
	vm6 =	vle.f32 v24, v1  }
0x116: {  	vm7 =	vlt.u32 v23, $0x1FC2;
	vm8 =	vle.f32 v26, v2;
	vm0 =	vmand vm6, vm5  }
0x117: {  	vm9 =	vmand vm8, vm7;
	v20 =	vsel vm0, v22, v20  }
0x118: {  	v23 =	vsel vm9, v25, v23;
	v22 =	vadd.s32 $0x20, v20  }
0x119: {  	v25 =	vadd.s32 $0x20, v23;
	v24 =	vmin.u32 v22, $0x2001  }
0x11a: {  	v26 =	vmin.u32 v25, $0x2001;
	v24 =	vadd.s32 $0x7, v24  }
0x11b: {  	v26 =	vadd.s32 $0x7, v26;
	_ =	sdelay $0x3  }
0x11c: {  	v24 =	vld.idx.msk [tilespmem:v24+s1+$0x0], $0xffff  }
0x11d: {  	v26 =	vld.idx.msk [tilespmem:v26+s1+$0x0], $0xffff;
	_ =	sdelay $0x3  }
0x11e: {  	vm10 =	vlt.u32 v20, $0x1FE2;
	vm11 =	vle.f32 v24, v1  }
0x11f: {  	vm12 =	vlt.u32 v23, $0x1FE2;
	vm13 =	vle.f32 v26, v2;
	vm0 =	vmand vm11, vm10  }
0x120: {  	vm14 =	vmand vm13, vm12;
	v20 =	vsel vm0, v22, v20  }
0x121: {  	v23 =	vsel vm14, v25, v23;
	v22 =	vadd.s32 $0x10, v20  }
0x122: {  	v25 =	vadd.s32 $0x10, v23;
	v24 =	vmin.u32 v22, $0x2001  }
0x123: {  	v26 =	vmin.u32 v25, $0x2001;
	v24 =	vadd.s32 $0x7, v24  }
0x124: {  	v26 =	vadd.s32 $0x7, v26;
	_ =	sdelay $0x3  }
0x125: {  	v24 =	vld.idx.msk [tilespmem:v24+s1+$0x0], $0xffff  }
0x126: {  	v26 =	vld.idx.msk [tilespmem:v26+s1+$0x0], $0xffff;
	_ =	sdelay $0x3  }
0x127: {  	vm15 =	vlt.u32 v20, $0x1FF2;
	vm4 =	vle.f32 v24, v1  }
0x128: {  	vm5 =	vlt.u32 v23, $0x1FF2;
	vm6 =	vle.f32 v26, v2;
	vm0 =	vmand vm4, vm15  }
0x129: {  	vm7 =	vmand vm6, vm5;
	v20 =	vsel vm0, v22, v20  }
0x12a: {  	v23 =	vsel vm7, v25, v23;
	v22 =	vadd.s32 $0x8, v20  }
0x12b: {  	v25 =	vadd.s32 $0x8, v23;
	v24 =	vmin.u32 v22, $0x2001  }
0x12c: {  	v26 =	vmin.u32 v25, $0x2001;
	v24 =	vadd.s32 $0x7, v24  }
0x12d: {  	v26 =	vadd.s32 $0x7, v26;
	_ =	sdelay $0x3  }
0x12e: {  	v24 =	vld.idx.msk [tilespmem:v24+s1+$0x0], $0xffff  }
0x12f: {  	v26 =	vld.idx.msk [tilespmem:v26+s1+$0x0], $0xffff;
	_ =	sdelay $0x3  }
0x130: {  	vm8 =	vlt.u32 v20, $0x1FFA;
	vm9 =	vle.f32 v24, v1  }
0x131: {  	vm10 =	vlt.u32 v23, $0x1FFA;
	vm11 =	vle.f32 v26, v2;
	vm0 =	vmand vm9, vm8  }
0x132: {  	vm12 =	vmand vm11, vm10;
	v20 =	vsel vm0, v22, v20  }
0x133: {  	v23 =	vsel vm12, v25, v23;
	v22 =	vadd.s32 $0x4, v20  }
0x134: {  	v25 =	vadd.s32 $0x4, v23;
	v24 =	vmin.u32 v22, $0x2001  }
0x135: {  	v26 =	vmin.u32 v25, $0x2001;
	v24 =	vadd.s32 $0x7, v24  }
0x136: {  	v26 =	vadd.s32 $0x7, v26;
	_ =	sdelay $0x3  }
0x137: {  	v24 =	vld.idx.msk [tilespmem:v24+s1+$0x0], $0xffff  }
0x138: {  	v26 =	vld.idx.msk [tilespmem:v26+s1+$0x0], $0xffff;
	_ =	sdelay $0x3  }
0x139: {  	vm13 =	vlt.u32 v20, $0x1FFE;
	vm14 =	vle.f32 v24, v1  }
0x13a: {  	vm15 =	vlt.u32 v23, $0x1FFE;
	vm4 =	vle.f32 v26, v2;
	vm0 =	vmand vm14, vm13  }
0x13b: {  	vm5 =	vmand vm4, vm15;
	v20 =	vsel vm0, v22, v20  }
0x13c: {  	v23 =	vsel vm5, v25, v23;
	v22 =	vadd.s32 $0x2, v20  }
0x13d: {  	v25 =	vadd.s32 $0x2, v23;
	v24 =	vmin.u32 v22, $0x2001  }
0x13e: {  	v26 =	vmin.u32 v25, $0x2001;
	v24 =	vadd.s32 $0x7, v24  }
0x13f: {  	v26 =	vadd.s32 $0x7, v26;
	_ =	sdelay $0x3  }
0x140: {  	v24 =	vld.idx.msk [tilespmem:v24+s1+$0x0], $0xffff  }
0x141: {  	v26 =	vld.idx.msk [tilespmem:v26+s1+$0x0], $0xffff;
	_ =	sdelay $0x3  }
0x142: {  	vm6 =	vlt.u32 v20, $0x2000;
	vm7 =	vle.f32 v24, v1  }
0x143: {  	vm8 =	vlt.u32 v23, $0x2000;
	vm9 =	vle.f32 v26, v2;
	vm0 =	vmand vm7, vm6  }
0x144: {  	vm10 =	vmand vm9, vm8;
	v20 =	vsel vm0, v22, v20  }
0x145: {  	v23 =	vsel vm10, v25, v23;
	v22 =	vadd.s32 $0x1, v20  }
0x146: {  	v25 =	vadd.s32 $0x1, v23;
	v24 =	vmin.u32 v22, $0x2001  }
0x147: {  	v26 =	vmin.u32 v25, $0x2001;
	v24 =	vadd.s32 $0x7, v24  }
0x148: {  	v26 =	vadd.s32 $0x7, v26;
	_ =	sdelay $0x3  }
0x149: {  	v24 =	vld.idx.msk [tilespmem:v24+s1+$0x0], $0xffff  }
0x14a: {  	v26 =	vld.idx.msk [tilespmem:v26+s1+$0x0], $0xffff;
	_ =	sdelay $0x3  }
0x14b: {  	vm11 =	vlt.u32 v20, $0x2001  }
0x14c: {  	vm13 =	vlt.u32 v23, $0x2001;
	vm12 =	vle.f32 v24, v1;
	vm3 =	vle.f32 v26, v2  }
0x14d: {  	vm0 =	vmand vm12, vm11;
	vm14 =	vmand vm3, vm13  }
0x14e: {  	v27 =	vsel vm0, v22, v20;
	v20 =	vsel vm14, v25, v23  }
0x14f: {  	v20 =	vsub.s32 v20, v27  }
0x150: {  	v22 =	vxor.u32 $0x80000000, v20  }
0x151: {  	(xrf0) =	vmax.scan.msk.u32 $0xffff, v22;
	_ =	sdelay $0x5  }
0x152: {  	v22, _, _ =	vpop (xrf0)  }
0x153: {  	(v2sf) =	vpush v22, $0xF;
	_ =	sdelay $0xe  }
0x154: {  	s28 =	spop (v2sf)  }
0x155: {  	s7 =	simm.s32 $0x1;
	s2 =	sxor.u32 $0x80000000, s28  }
0x156: {  	s6 =	simm.s32 $0x1;
	p0 =	sgt.s32 s2, $0x0;
	p1 =	sgt.s32 s2, $0x1  }
0x157: {  	s6 =	simm.s32 @!p0 $0x0;
	s7 =	simm.s32 @!p1 $0x0  }
0x158: {  	p0 =	sgt.s32 s2, $0x3;
	s6 =	sadd.s32 s7, s6;
	s7 =	simm.s32 $0x1  }
0x159: {  	s8 =	simm.s32 $0x1;
	s7 =	simm.s32 @!p0 $0x0;
	p0 =	sgt.s32 s2, $0x7  }
0x15a: {  	s6 =	sadd.s32 s7, s6;
	s8 =	simm.s32 @!p0 $0x0  }
0x15b: {  	p0 =	sgt.s32 s2, $0xF;
	s7 =	simm.s32 $0x1;
	s6 =	sadd.s32 s8, s6  }
0x15c: {  	s7 =	simm.s32 @!p0 $0x0;
	p0 =	sgt.s32 s2, $0x1F;
	s8 =	simm.s32 $0x1  }
0x15d: {  	s6 =	sadd.s32 s7, s6;
	s8 =	simm.s32 @!p0 $0x0  }
0x15e: {  	p0 =	sgt.s32 s2, $0x3F;
	s7 =	simm.s32 $0x1;
	s6 =	sadd.s32 s8, s6  }
0x15f: {  	s7 =	simm.s32 @!p0 $0x0;
	p0 =	sgt.s32 s2, $0x7F;
	s8 =	simm.s32 $0x1  }
0x160: {  	s6 =	sadd.s32 s7, s6;
	s8 =	simm.s32 @!p0 $0x0  }
0x161: {  	p0 =	sgt.s32 s2, $0xFF;
	s7 =	simm.s32 $0x1;
	s6 =	sadd.s32 s8, s6  }
0x162: {  	s7 =	simm.s32 @!p0 $0x0;
	p0 =	sgt.s32 s2, $0x1FF;
	s8 =	simm.s32 $0x1  }
0x163: {  	s6 =	sadd.s32 s7, s6;
	s8 =	simm.s32 @!p0 $0x0  }
0x164: {  	p0 =	sgt.s32 s2, $0x3FF;
	s7 =	simm.s32 $0x1;
	s6 =	sadd.s32 s8, s6  }
0x165: {  	s7 =	simm.s32 @!p0 $0x0;
	p0 =	sgt.s32 s2, $0x7FF;
	s8 =	simm.s32 $0x1  }
0x166: {  	s6 =	sadd.s32 s7, s6;
	s8 =	simm.s32 @!p0 $0x0;
	p0 =	sgt.s32 s2, $0xFFF  }
.Ltmp3:
0x167: {  	s7 =	simm.s32 $0x1;
	s6 =	sadd.s32 s8, s6;
	(pc) =	sbr.rel .LBB2_4-.Ltmp3, $4  }
0x168: {  	s7 =	simm.s32 @!p0 $0x0;
	p0 =	sgt.s32 s2, $0x1FFF;
	s2 =	simm.s32 $0x1  }
0x169: {  	vm15 =	vlt.f32 v21, $6.553500000e+04;
	v21 =	vld [tilespmem:$0xC80];
	s6 =	sadd.s32 s7, s6;
	s2 =	simm.s32 @!p0 $0x0  }
0x16a: {  	v24 =	vld [tilespmem:$0xCA0];
	v25 =	vsel vm15, $0x2001, v19;
	s23 =	sadd.s32 s2, s6  }
0x16b: {  	s25 =	simm.s32 $0x0;
	v23 =	vld [tilespmem:$0xC90];
	v26 =	vadd.s32 $0x7, v27;
	v27 =	vadd.s32 $0x1, v27;
	v22 =	vsel vm15, $0x1, v4;
	s24 =	sadd.s32 $0xFFFFFFFF, s23;
	p0 =	seq.s32 s23, $0x0  }
.LBB2_5:
0x16c: {  	v41 =	vimm.s32 $0x0  }
0x16d: {  	v42 =	vimm.s32 $0x0;
	v43 =	vimm.s32 $0x0;
	v40 =	vimm.s32 $0x0  }
0x16e: {  	v39 =	vimm.s32 $0x0;
	v38 =	vimm.s32 $0x0;
	v37 =	vimm.s32 $0x0  }
.LBB2_13:
0x16f: {  	v36 =	vadd.s32 v36, v27  }
0x170: {  	v41 =	vadd.s32 v41, v27;
	vm0 =	vgt.s32 v36, v22  }
0x171: {  	v42 =	vadd.s32 v42, v27;
	vm7 =	vgt.s32 v41, v22;
	v36 =	vsel vm0, v36, v22  }
0x172: {  	vm8 =	vgt.s32 v42, v22;
	v41 =	vsel vm7, v41, v22;
	v36 =	vmin.u32 v36, v25  }
0x173: {  	v42 =	vsel vm8, v42, v22;
	v41 =	vmin.u32 v41, v25;
	v44 =	vadd.s32 $0x6, v36  }
0x174: {  	v42 =	vmin.u32 v42, v25;
	v45 =	vadd.s32 $0x6, v41  }
0x175: {  	v43 =	vadd.s32 v43, v27;
	v40 =	vadd.s32 v40, v27;
	v46 =	vadd.s32 $0x6, v42  }
0x176: {  	v39 =	vadd.s32 v39, v27;
	vm9 =	vgt.s32 v43, v22;
	v36 =	vadd.s32 $0x7, v36  }
0x177: {  	vm10 =	vgt.s32 v40, v22;
	v43 =	vsel vm9, v43, v22;
	v41 =	vadd.s32 $0x7, v41  }
0x178: {  	v40 =	vsel vm10, v40, v22;
	v43 =	vmin.u32 v43, v25;
	v42 =	vadd.s32 $0x7, v42;
	v49 =	vld.idx.msk [tilespmem:v44+s1+$0x0], $0xffff  }
0x179: {  	vm11 =	vgt.s32 v39, v22;
	v40 =	vmin.u32 v40, v25;
	v47 =	vadd.s32 $0x6, v43;
	v50 =	vld.idx.msk [tilespmem:v45+s1+$0x0], $0xffff  }
0x17a: {  	v39 =	vsel vm11, v39, v22;
	v48 =	vadd.s32 $0x6, v40;
	v51 =	vld.idx.msk [tilespmem:v46+s1+$0x0], $0xffff  }
0x17b: {  	v39 =	vmin.u32 v39, v25;
	v43 =	vadd.s32 $0x7, v43;
	v53 =	vld.idx.msk [tilespmem:v36+s1+$0x0], $0xffff  }
0x17c: {  	v38 =	vadd.s32 v38, v27;
	v56 =	vadd.s32 $0x6, v39;
	v55 =	vld.idx.msk [tilespmem:v41+s1+$0x0], $0xffff  }
0x17d: {  	vm12 =	vgt.s32 v38, v22;
	v39 =	vadd.s32 $0x7, v39;
	v57 =	vld.idx.msk [tilespmem:v42+s1+$0x0], $0xffff  }
0x17e: {  	v38 =	vsel vm12, v38, v22;
	v40 =	vadd.s32 $0x7, v40;
	v52 =	vld.idx.msk [tilespmem:v47+s1+$0x0], $0xffff  }
0x17f: {  	v38 =	vmin.u32 v38, v25;
	v54 =	vld.idx.msk [tilespmem:v48+s1+$0x0], $0xffff  }
0x180: {  	v60 =	vadd.s32 $0x6, v38;
	v58 =	vld.idx.msk [tilespmem:v43+s1+$0x0], $0xffff;
	v53 =	vsub.f32 v53, v49  }
0x181: {  	v38 =	vadd.s32 $0x7, v38;
	v62 =	vld.idx.msk [tilespmem:v56+s1+$0x0], $0xffff;
	v55 =	vsub.f32 v55, v50  }
0x182: {  	v63 =	vld.idx.msk [tilespmem:v39+s1+$0x0], $0xffff;
	v57 =	vsub.f32 v57, v51;
	vm1 =	vgt.f32 v53, $0.0e+00  }
0x183: {  	v37 =	vadd.s32 v37, v27;
	v59 =	vld.idx.msk [tilespmem:v40+s1+$0x0], $0xffff;
	vm3 =	vgt.f32 v55, $0.0e+00;
	v53 =	vnsel vm1, $0x3F800000, v53  }
0x184: {  	v44 =	vld.idx.msk [tilespmem:v44+s18+$0x0], $0xffff;
	vm4 =	vgt.f32 v57, $0.0e+00;
	v55 =	vnsel vm3, $0x3F800000, v55;
	(erf) = vrcp.f32 v53  }
0x185: {  	vm13 =	vgt.s32 v37, v22;
	(erf) = vrcp.f32 v55;
	v55 =	vnsel vm4, $0x3F800000, v57;
	v57 =	vld.idx.msk [tilespmem:v60+s1+$0x0], $0xffff  }
0x186: {  	v37 =	vsel vm13, v37, v22;
	(erf) = vrcp.f32 v55;
	v55 =	vld.idx.msk [tilespmem:v38+s1+$0x0], $0xffff  }
0x187: {  	v37 =	vmin.u32 v37, v25;
	v45 =	vld.idx.msk [tilespmem:v45+s18+$0x0], $0xffff;
	v63 =	vsub.f32 v63, v62;
	v35 =	vsub.f32 v35, v49  }
0x188: {  	v61 =	vadd.s32 $0x6, v37;
	v46 =	vld.idx.msk [tilespmem:v46+s18+$0x0], $0xffff;
	v32 =	vsub.f32 v32, v50;
	v53 =	vsub.f32 v58, v52  }
0x189: {  	v37 =	vadd.s32 $0x7, v37;
	v36 =	vld.idx.msk [tilespmem:v36+s18+$0x0], $0xffff;
	v33 =	vsub.f32 v33, v51;
	v58 =	vsub.f32 v59, v54  }
0x18a: {  	v41 =	vld.idx.msk [tilespmem:v41+s18+$0x0], $0xffff;
	v34 =	vsub.f32 v34, v52;
	vm2 =	vgt.f32 v63, $0.0e+00;
	vm5 =	vgt.f32 v53, $0.0e+00  }
0x18b: {  	v42 =	vld.idx.msk [tilespmem:v42+s18+$0x0], $0xffff;
	vm6 =	vgt.f32 v58, $0.0e+00;
	v53 =	vnsel vm5, $0x3F800000, v53;
	v49 =	vsub.f32 v55, v57  }
0x18c: {  	v43 =	vld.idx.msk [tilespmem:v43+s18+$0x0], $0xffff;
	v59 =	vnsel vm6, $0x3F800000, v58;
	(erf) = vrcp.f32 v53;
	v53 =	vnsel vm2, $0x3F800000, v63  }
0x18d: {  	v39 =	vld.idx.msk [tilespmem:v39+s18+$0x0], $0xffff;
	v31 =	vsub.f32 v31, v54;
	(erf) = vrcp.f32 v59;
	vm14 =	vgt.f32 v49, $0.0e+00  }
0x18e: {  	v36 =	vmul.f32 v36, v21;
	v58 =	vld.idx.msk [tilespmem:v61+s1+$0x0], $0xffff;
	(erf) = vrcp.f32 v53;
	v49 =	vnsel vm14, $0x3F800000, v49  }
0x18f: {  	v30 =	vsub.f32 v30, v62;
	v44 =	vmul.f32 v44, v23;
	v59 =	vld.idx.msk [tilespmem:v37+s1+$0x0], $0xffff;
	v53 =	vpop (erf);
	(erf) = vrcp.f32 v49  }
0x190: {  	v51 =	vor.u32 s8, v0;
	v41 =	vmul.f32 v41, v21;
	v42 =	vmul.f32 v42, v21;
	v38 =	vld.idx.msk [tilespmem:v38+s18+$0x0], $0xffff  }
0x191: {  	v62 =	vmul.f32 v46, v23;
	v36 =	vadd.f32 v36, v44;
	v44 =	vor.u32 s7, v0;
	v52 =	vld.idx.msk [tilespmem:v56+s18+$0x0], $0xffff  }
0x192: {  	v54 =	vld.idx.msk [tilespmem:v61+s18+$0x0], $0xffff;
	v56 =	vmul.f32 v39, v21;
	v61 =	vmul.f32 v45, v23;
	v29 =	vsub.f32 v29, v57  }
0x193: {  	v57 =	vor.u32 s17, v0;
	v28 =	vsub.f32 v28, v58;
	v63 =	vpop (erf);
	v35 =	vmul.f32 v53, v35  }
0x194: {  	v53 =	vld.idx.msk [tilespmem:v60+s18+$0x0], $0xffff;
	v60 =	vsub.f32 v59, v58;
	v59 =	vadd.f32 v41, v61;
	v61 =	vmul.f32 v43, v21;
	v50 =	vpop (erf)  }
0x195: {  	v47 =	vld.idx.msk [tilespmem:v47+s18+$0x0], $0xffff;
	v41 =	vor.u32 s26, v0;
	v58 =	vmul.f32 v38, v21;
	v32 =	vmul.f32 v63, v32;
	v63 =	vpop (erf)  }
0x196: {  	v49 =	vor.u32 s9, v0;
	v33 =	vmul.f32 v50, v33;
	vm15 =	vgt.f32 v60, $0.0e+00;
	v55 =	vpop (erf)  }
0x197: {  	v37 =	vld.idx.msk [tilespmem:v37+s18+$0x0], $0xffff;
	v35 =	vnsel vm1, $0x0, v35;
	v50 =	vnsel vm15, $0x3F800000, v60;
	v34 =	vmul.f32 v63, v34;
	v63 =	vpop (erf)  }
0x198: {  	v32 =	vnsel vm3, $0x0, v32;
	v30 =	vmul.f32 v63, v30;
	v63 =	vpop (erf);
	(erf) = vrcp.f32 v50  }
0x199: {  	v48 =	vld.idx.msk [tilespmem:v48+s18+$0x0], $0xffff;
	v35 =	vmul.f32 v35, v24;
	v60 =	vadd.f32 v42, v62;
	v42 =	vor.u32 s6, v0  }
0x19a: {  	v62 =	vmul.f32 v47, v23;
	v33 =	vnsel vm4, $0x0, v33;
	v32 =	vmul.f32 v32, v24  }
0x19b: {  	v40 =	vld.idx.msk [tilespmem:v40+s18+$0x0], $0xffff;
	v31 =	vmul.f32 v55, v31;
	v35 =	vadd.f32 v36, v35;
	v33 =	vmul.f32 v33, v24  }
0x19c: {  	v55 =	vadd.f32 v61, v62;
	v61 =	vmul.f32 v37, v21;
	v62 =	vmul.f32 v54, v23  }
0x19d: {  	v34 =	vnsel vm5, $0x0, v34;
	v32 =	vadd.f32 v59, v32;
	v31 =	vnsel vm6, $0x0, v31;
	[tilespmem:v49+s3+$0x0] =	vst.idx.msk $0xffff, v35  }
0x19e: {  	v33 =	vadd.f32 v60, v33;
	v49 =	vmul.f32 v48, v23;
	v34 =	vmul.f32 v34, v24  }
0x19f: {  	v60 =	vmul.f32 v53, v23;
	v30 =	vnsel vm2, $0x0, v30;
	[tilespmem:v51+s3+$0x0] =	vst.idx.msk $0xffff, v32;
	v31 =	vmul.f32 v31, v24  }
0x1a0: {  	v51 =	vor.u32 s2, v0;
	[tilespmem:v57+s3+$0x0] =	vst.idx.msk $0xffff, v33;
	v29 =	vmul.f32 v63, v29;
	v63 =	vmul.f32 v40, v21  }
0x1a1: {  	v57 =	vmul.f32 v52, v23;
	v33 =	vadd.f32 v55, v34;
	v30 =	vmul.f32 v30, v24;
	v59 =	vpop (erf)  }
0x1a2: {  	v29 =	vnsel vm14, $0x0, v29;
	v32 =	vadd.f32 v63, v49;
	v28 =	vmul.f32 v59, v28  }
0x1a3: {  	s25 =	sadd.s32 $0x1, s25;
	v50 =	vor.u32 s28, v0;
	v35 =	vadd.f32 v56, v57;
	v29 =	vmul.f32 v29, v24  }
0x1a4: {  	p1 =	sne.s32 s25, $0x10;
	[tilespmem:v42+s3+$0x0] =	vst.idx.msk $0xffff, v33;
	v31 =	vadd.f32 v32, v31;
	v32 =	vadd.f32 v58, v60;
	v28 =	vnsel vm15, $0x0, v28  }
.Ltmp4:
0x1a5: {  	v30 =	vadd.f32 v35, v30;
	v63 =	vadd.f32 v61, v62;
	v28 =	vmul.f32 v28, v24;
	(pc) =	sbr.rel @!p1 .LBB2_14-.Ltmp4, $4  }
0x1a6: {  	[tilespmem:v44+s3+$0x0] =	vst.idx.msk $0xffff, v31;
	v29 =	vadd.f32 v32, v29  }
0x1a7: {  	[tilespmem:v41+s3+$0x0] =	vst.idx.msk $0xffff, v30;
	v28 =	vadd.f32 v63, v28  }
0x1a8: {  	[tilespmem:v50+s3+$0x0] =	vst.idx.msk $0xffff, v29  }
0x1a9: {  	[tilespmem:v51+s3+$0x0] =	vst.idx.msk $0xffff, v28  }
.LBB2_4:
0x1aa: {  	s9 =	sshll.u32 s25, $0x7  }
0x1ab: {  	v28 =	vor.u32 s9, v3;
	s17 =	sor.u32 $0x20, s9  }
0x1ac: {  	s8 =	sor.u32 $0x10, s9;
	s6 =	sor.u32 $0x30, s9;
	v35 =	vcvt.s32.f32 v28;
	v28 =	vor.u32 s17, v3  }
.Ltmp5:
0x1ad: {  	s26 =	sor.u32 $0x50, s9;
	v29 =	vor.u32 s8, v3;
	v33 =	vcvt.s32.f32 v28;
	v28 =	vor.u32 s6, v3;
	(pc) =	sbr.rel @p0 .LBB2_5-.Ltmp5, $4  }
0x1ae: {  	s7 =	sor.u32 $0x40, s9;
	s28 =	sor.u32 $0x60, s9;
	v32 =	vcvt.s32.f32 v29;
	v34 =	vcvt.s32.f32 v28;
	v28 =	vor.u32 s26, v3  }
0x1af: {  	s2 =	sor.u32 $0x70, s9;
	v29 =	vor.u32 s7, v3;
	v30 =	vcvt.s32.f32 v28;
	v28 =	vor.u32 s28, v3  }
0x1b0: {  	v36 =	vor.u32 s2, v3;
	v31 =	vcvt.s32.f32 v29;
	v29 =	vcvt.s32.f32 v28  }
0x1b1: {  	v28 =	vcvt.s32.f32 v36;
	v36 =	vimm.s32 $0x0  }
0x1b2: {  	s10 =	sshll.u32 s29, s24  }
0x1b3: {  	v37 =	vadd.s32 s10, v36  }
0x1b4: {  	vm6 =	vle.s32 v37, v20  }
0x1b5: {  	v38 =	vsel vm6, v37, v20  }
0x1b6: {  	v52 =	vadd.s32 v26, v38;
	_ =	sdelay $0x4  }
0x1b7: {  	p2 =	sgt.u32 s23, $0x1;
	v38 =	vld.idx.msk [tilespmem:v52+s1+$0x0], $0xffff  }
.Ltmp6:
0x1b8: {  	_ = 	snop;
	(pc) =	sbr.rel @!p2 .LBB2_7-.Ltmp6, $4  }
0x1b9: {  	_ = 	snop  }
0x1ba: {  	v56 =	vld.idx.msk [tilespmem:v52+s1+$0x0], $0xffff  }
0x1bb: {  	v55 =	vld.idx.msk [tilespmem:v52+s1+$0x0], $0xffff  }
0x1bc: {  	s12 =	sadd.s32 $0xFFFFFFFF, s24;
	p1 =	por $0x0, $0x0;
	v53 =	vld.idx.msk [tilespmem:v52+s1+$0x0], $0xffff;
	vm7 =	vle.f32 v38, v28  }
0x1bd: {  	_ =	sdelay $0x2  }
0x1be: {  	vm1 =	vmand vm6, vm7  }
0x1bf: {  	s10 =	sshll.u32 s29, s12;
	v42 =	vld.idx.msk [tilespmem:v52+s1+$0x0], $0xffff;
	v38 =	vsel vm1, v37, v36  }
0x1c0: {  	vm0 =	vle.f32 v56, v29;
	v50 =	vadd.s32 s10, v38  }
0x1c1: {  	vm0 =	vmand vm6, vm0;
	vm4 =	vle.s32 v50, v20;
	vm1 =	vle.f32 v55, v32  }
0x1c2: {  	v44 =	vld.idx.msk [tilespmem:v52+s1+$0x0], $0xffff;
	v39 =	vsel vm0, v37, v36;
	v40 =	vsel vm4, v50, v20;
	vm1 =	vmand vm6, vm1  }
0x1c3: {  	v41 =	vadd.s32 s10, v39;
	v46 =	vadd.s32 v26, v40;
	v40 =	vsel vm1, v37, v36  }
0x1c4: {  	vm1 =	vle.f32 v53, v31;
	vm3 =	vle.f32 v42, v33;
	vm0 =	vle.s32 v41, v20  }
0x1c5: {  	vm2 =	vmand vm6, vm1;
	vm3 =	vmand vm6, vm3;
	v43 =	vsel vm0, v41, v20  }
0x1c6: {  	v58 =	vld.idx.msk [tilespmem:v52+s1+$0x0], $0xffff;
	v42 =	vsel vm2, v37, v36;
	v51 =	vadd.s32 v26, v43;
	v43 =	vadd.s32 s10, v40  }
0x1c7: {  	v53 =	vld.idx.msk [tilespmem:v52+s1+$0x0], $0xffff;
	vm2 =	vle.f32 v44, v30;
	v45 =	vadd.s32 s10, v42;
	vm1 =	vle.s32 v43, v20  }
0x1c8: {  	vm5 =	vmand vm6, vm2;
	vm2 =	vle.s32 v45, v20;
	v47 =	vsel vm1, v43, v20  }
0x1c9: {  	v44 =	vsel vm3, v37, v36;
	v49 =	vsel vm2, v45, v20;
	v54 =	vadd.s32 v26, v47  }
0x1ca: {  	p2 =	sgt.u32 s23, $0x2;
	v48 =	vadd.s32 s10, v44;
	v59 =	vld.idx.msk [tilespmem:v46+s1+$0x0], $0xffff;
	v47 =	vsel vm5, v37, v36;
	v60 =	vadd.s32 v26, v49  }
.Ltmp7:
0x1cb: {  	vm8 =	vle.f32 v58, v34;
	vm3 =	vle.s32 v48, v20;
	v49 =	vadd.s32 s10, v47;
	v56 =	vld.idx.msk [tilespmem:v51+s1+$0x0], $0xffff;
	(pc) =	sbr.rel @!p2 .LBB2_9-.Ltmp7, $4  }
0x1cc: {  	vm7 =	vle.f32 v53, v35;
	v62 =	vsel vm3, v48, v20;
	vm5 =	vle.s32 v49, v20  }
0x1cd: {  	vm7 =	vmand vm6, vm7;
	v52 =	vadd.s32 v26, v62;
	v63 =	vsel vm5, v49, v20  }
0x1ce: {  	vm9 =	vmand vm6, vm8;
	v51 =	vsel vm7, v37, v36;
	v57 =	vadd.s32 v26, v63;
	v55 =	vld.idx.msk [tilespmem:v54+s1+$0x0], $0xffff  }
0x1cf: {  	s11 =	simm.s32 $0x2;
	s12 =	sadd.s32 $0xFFFFFFFF, s12;
	p1 =	por $0x1, $0x1;
	v46 =	vadd.s32 s10, v51;
	vm7 =	vle.f32 v59, v28;
	v53 =	vld.idx.msk [tilespmem:v60+s1+$0x0], $0xffff;
	v54 =	vimm.s32 $0x0  }
.LBB2_10:
0x1d0: {  	s13 =	sshll.u32 s29, s12;
	s11 =	sadd.s32 $0x1, s11;
	vm8 =	vle.s32 v46, v20;
	vm10 =	vle.f32 v56, v29;
	v54 =	vsel vm9, v37, v54  }
0x1d1: {  	vm4 =	vmand vm4, vm7;
	p2 =	slt.u32 s11, s23;
	v56 =	vsel vm8, v46, v20;
	v37 =	vadd.s32 s10, v54;
	s10 =	smov.u32 s13  }
0x1d2: {  	vm0 =	vmand vm0, vm10;
	v38 =	vsel vm4, v50, v38;
	v52 =	vld.idx.msk [tilespmem:v52+s1+$0x0], $0xffff;
	vm6 =	vle.s32 v37, v20  }
0x1d3: {  	v50 =	vadd.s32 s10, v38;
	v56 =	vadd.s32 v26, v56;
	v39 =	vsel vm0, v41, v39;
	v57 =	vld.idx.msk [tilespmem:v57+s1+$0x0], $0xffff  }
0x1d4: {  	vm7 =	vle.f32 v55, v32;
	v41 =	vadd.s32 s10, v39;
	vm4 =	vle.s32 v50, v20  }
0x1d5: {  	vm1 =	vmand vm1, vm7;
	vm0 =	vle.s32 v41, v20;
	v55 =	vsel vm4, v50, v20  }
0x1d6: {  	v59 =	vsel vm6, v37, v20;
	v58 =	vsel vm0, v41, v20;
	v55 =	vadd.s32 v26, v55  }
0x1d7: {  	v40 =	vsel vm1, v43, v40;
	v59 =	vadd.s32 v26, v59;
	v58 =	vadd.s32 v26, v58  }
0x1d8: {  	vm9 =	vle.f32 v53, v31;
	v43 =	vadd.s32 s10, v40;
	vm7 =	vle.f32 v52, v33  }
0x1d9: {  	vm2 =	vmand vm2, vm9;
	vm1 =	vle.s32 v43, v20;
	vm9 =	vle.f32 v57, v30;
	v53 =	vld.idx.msk [tilespmem:v56+s1+$0x0], $0xffff  }
0x1da: {  	v42 =	vsel vm2, v45, v42;
	vm3 =	vmand vm3, vm7;
	vm5 =	vmand vm5, vm9  }
0x1db: {  	v52 =	vsel vm1, v43, v20;
	v45 =	vadd.s32 s10, v42;
	v44 =	vsel vm3, v48, v44  }
0x1dc: {  	v57 =	vadd.s32 v26, v52;
	vm2 =	vle.s32 v45, v20;
	v48 =	vadd.s32 s10, v44;
	v59 =	vld.idx.msk [tilespmem:v59+s1+$0x0], $0xffff  }
0x1dd: {  	v52 =	vsel vm2, v45, v20;
	v47 =	vsel vm5, v49, v47;
	vm3 =	vle.s32 v48, v20;
	v60 =	vld.idx.msk [tilespmem:v55+s1+$0x0], $0xffff  }
0x1de: {  	v61 =	vadd.s32 v26, v52;
	v49 =	vsel vm3, v48, v20;
	v56 =	vld.idx.msk [tilespmem:v58+s1+$0x0], $0xffff  }
.Ltmp8:
0x1df: {  	v52 =	vadd.s32 v26, v49;
	v49 =	vadd.s32 s10, v47;
	vm7 =	vle.f32 v53, v35;
	(pc) =	sbr.rel @p2 .LBB2_10-.Ltmp8, $4  }
0x1e0: {  	vm5 =	vle.s32 v49, v20;
	vm7 =	vmand vm8, vm7  }
0x1e1: {  	v53 =	vsel vm5, v49, v20;
	v51 =	vsel vm7, v46, v51;
	v55 =	vld.idx.msk [tilespmem:v57+s1+$0x0], $0xffff  }
0x1e2: {  	v46 =	vadd.s32 s10, v51;
	v57 =	vadd.s32 v26, v53;
	vm8 =	vle.f32 v59, v34  }
0x1e3: {  	s12 =	sadd.s32 $0xFFFFFFFF, s12;
	vm7 =	vle.f32 v60, v28;
	vm9 =	vmand vm6, vm8;
	v53 =	vld.idx.msk [tilespmem:v61+s1+$0x0], $0xffff  }
0x1e4: {  	v58 =	vmov v37;
	vm6 =	vmmov vm4;
	v37 =	vmov v50  }
.LBB2_12:
0x1e5: {  	v50 =	vsel @p1 vm9, v58, v54  }
0x1e6: {  	v50 =	vpsel p1, v50, v36  }
0x1e7: {  	vm4 =	vle.s32 v46, v20;
	v60 =	vadd.s32 s10, v50  }
0x1e8: {  	v61 =	vsel vm4, v46, v20;
	vm8 =	vle.s32 v60, v20  }
0x1e9: {  	v36 =	vadd.s32 v26, v61;
	v62 =	vsel vm8, v60, v20  }
0x1ea: {  	v58 =	vadd.s32 v26, v62;
	_ =	sdelay $0x1  }
0x1eb: {  	v52 =	vld.idx.msk [tilespmem:v52+s1+$0x0], $0xffff  }
0x1ec: {  	v57 =	vld.idx.msk [tilespmem:v57+s1+$0x0], $0xffff  }
0x1ed: {  	v36 =	vld.idx.msk [tilespmem:v36+s1+$0x0], $0xffff  }
0x1ee: {  	vm14 =	vle.f32 v56, v29;
	vm6 =	vmand vm6, vm7;
	v63 =	vld.idx.msk [tilespmem:v58+s1+$0x0], $0xffff  }
0x1ef: {  	vm0 =	vmand vm0, vm14;
	v37 =	vsel vm6, v37, v38;
	vm15 =	vle.f32 v55, v32  }
0x1f0: {  	v38 =	vsel vm0, v41, v39;
	vm6 =	vmand vm1, vm15;
	vm7 =	vle.f32 v53, v31  }
.Ltmp9:
0x1f1: {  	v41 =	vsel vm6, v43, v40;
	vm1 =	vmand vm2, vm7;
	vm9 =	vle.f32 v52, v33;
	(pc) =	sbr.rel .LBB2_13-.Ltmp9, $4  }
0x1f2: {  	vm10 =	vle.f32 v57, v30;
	v40 =	vsel vm1, v45, v42;
	vm0 =	vmand vm3, vm9  }
0x1f3: {  	vm11 =	vmand vm5, vm10;
	vm12 =	vle.f32 v36, v35;
	vm13 =	vle.f32 v63, v34  }
0x1f4: {  	v42 =	vsel vm0, v48, v44;
	vm14 =	vmand vm4, vm12;
	vm15 =	vmand vm8, vm13  }
0x1f5: {  	v39 =	vsel vm11, v49, v47;
	v36 =	vsel vm14, v46, v51;
	v43 =	vsel vm15, v60, v50  }
.LBB2_7:
.Ltmp10:
0x1f6: {  	v54 =	vimm.s32 $0x0;
	v38 =	vimm.s32 $0x0;
	(pc) =	sbr.rel .LBB2_12-.Ltmp10, $4  }
0x1f7: {  	v39 =	vimm.s32 $0x0;
	v40 =	vimm.s32 $0x0;
	v42 =	vimm.s32 $0x0  }
0x1f8: {  	v46 =	vmovc v37;
	vm0 =	vmmov vm6;
	v57 =	vmovc v52;
	v41 =	vmov v37;
	vm1 =	vmmov vm6  }
0x1f9: {  	v43 =	vmovc v37;
	vm2 =	vmmov vm6;
	vm3 =	vmmov vm6;
	v45 =	vmovc v37;
	vm5 =	vmmov vm6  }
0x1fa: {  	v48 =	vmovc v37;
	v44 =	vimm.s32 $0x0;
	v49 =	vmovc v37;
	v47 =	vimm.s32 $0x0;
	v51 =	vimm.s32 $0x0  }
.LBB2_9:
.Ltmp11:
0x1fb: {  	(pc) =	sbr.rel .LBB2_12-.Ltmp11, $2  }
0x1fc: {  	_ =	sdelay $0x2  }
0x1fd: {  	v58 =	vmovc v37;
	v54 =	vimm.s32 $0x0;
	vm6 =	vmmov vm4;
	v37 =	vmov v50  }
.LBB2_15:
0x1fe: {  	_ =	sfence.sel $0x180000  }
0x1ff: {  	[bflag:$0x0] =	sbarrier.arrive $0xFFFF  }
0x200: {  	_ =	strace $0x90000047  }
0x201: {  	s0 =	stileid.u32;
	[bflag:$0x2] =	sbarrier.arrive $0xFFFF  }
0x202: {  	p0 =	sne.s32 s0, $0x0;
	s0 =	rddreg [dreg:$0x8]  }
0x203: {  	s0 =	sadd.s32 @!p0 $0x100000, s0  }
0x204: {  	[sflag:s0] =	ssyncadd.tile.s32 @!p0 $0x1;
	_ =	shalt  }
.Lfunc_end2:
_tile_overlayer_lowered:
.L_overlay_start_2:
0x205: {  	(tag) =	ssettag $0x2  }
0x206: {  	s0 =	rddreg [dreg:$0x0];
	s2 =	stileid.u32  }
0x207: {  	s1 =	rddreg [dreg:$0x1];
	p0 =	sne.s32 s2, $0x0  }
0x208: {  	s3 =	rddreg [dreg:$0x2];
	[bflag:$0x3] =	sbarrier.arrive $0xFFFF;
	s2 =	simm.s32 @!p0 $0x1C03  }
0x209: {  	[timem:s3], [sflag:s2] =	dma.local @!p0 [hbm:s0], s1  }
0x20a: {  	s0 =	simm.s32 @!p0 $0x3  }
0x20b: {  	_ =	swait.ge @!p0 [sflag:s0], s1  }
0x20c: {  	s1 =	ssub.s32 @!p0 $0x0, s1;
	[sflag:s0] =	ssyncset.done @!p0 $0x0  }
0x20d: {  	[sflag:s0] =	ssyncadd.s32 @!p0 s1  }
0x20e: {  	[bflag:$0x3] =	sbarrier.arrive $0xFFFF  }
0x20f: {  	_ =	shalt  }

</sc_bundles>
